<compile_context>
chip_gen: v7x
topology: tpu7x:2x2x1
jax: 0.10.2.dev20260603
libtpu: 0.0.44.dev20260713+nightly
codegen_flags: <defaults>
</compile_context>

<pallas_src>
import functools

import jax
import jax.numpy as jnp
from jax import lax
from jax.experimental import pallas as pl
from jax.experimental.pallas import tpu as pltpu
from jax.experimental.pallas import tpu_sc as plsc

NC = 2
NS = 16
L = 16
W = NC * NS
SUB = 64

CONSTRAINT_WEIGHT = 0.1
CORRECTION_FACTOR = 0.1


@functools.lru_cache(maxsize=None)
def _sc_edge_kernel(E: int, NP: int, C: int = 1600):
    assert E % (W * C) == 0 and C % SUB == 0 and C % L == 0
    assert NP % (NS * 8) == 0
    EPW = E // W
    NCH = EPW // C
    NSUB = C // SUB
    G = C // L
    NPT = NP // NS

    mesh = plsc.VectorSubcoreMesh(
        core_axis_name="c", subcore_axis_name="s",
        num_cores=NC, num_subcores=NS)

    @functools.partial(
        pl.kernel,
        out_type=(
            jax.ShapeDtypeStruct((NC * 3 * NP,), jnp.float32),
            jax.ShapeDtypeStruct((W * L,), jnp.float32),
        ),
        mesh=mesh,
        compiler_params=pltpu.CompilerParams(
            needs_layout_passes=False, use_tc_tiling_on_sc=False),
        scratch_types=(
            pltpu.VMEM((C,), jnp.int32),
            pltpu.VMEM((C,), jnp.int32),
            pltpu.VMEM((C,), jnp.int32),
            pltpu.VMEM((C,), jnp.float32),
            pltpu.VMEM((C,), jnp.float32),
            pltpu.VMEM((C,), jnp.float32),
            pltpu.VMEM((C,), jnp.float32),
            pltpu.VMEM((C,), jnp.float32),
            pltpu.VMEM((C,), jnp.float32),
            pltpu.VMEM((C,), jnp.float32),
            pltpu.VMEM((C,), jnp.float32),
            pltpu.VMEM((C,), jnp.float32),
            pltpu.VMEM((C,), jnp.float32),
            pltpu.VMEM((C,), jnp.float32),
            pltpu.VMEM((C,), jnp.float32),
            pltpu.VMEM((L,), jnp.float32),
            pltpu.VMEM((L,), jnp.float32),
            pltpu.VMEM((L,), jnp.float32),
            pltpu.VMEM((L,), jnp.float32),
            pltpu.VMEM_SHARED((NP,), jnp.float32),
            pltpu.VMEM_SHARED((NP,), jnp.float32),
            pltpu.VMEM_SHARED((NP,), jnp.float32),
            pltpu.VMEM_SHARED((NP,), jnp.float32),
            pltpu.VMEM_SHARED((NP,), jnp.float32),
            pltpu.VMEM_SHARED((NP,), jnp.float32),
            pltpu.SemaphoreType.DMA,
            pltpu.SemaphoreType.DMA,
        ),
    )
    def k(px_hbm, py_hbm, pz_hbm, row_hbm, col_hbm, bt_hbm,
          tgt_hbm, adj_hbm, zeros_hbm,
          acc_out, loss_out,
          rowidx, colidx, btbuf,
          rxb, ryb, rzb, cxb, cyb, czb,
          axb, ayb, azb, naxb, nayb, nazb,
          tgtv, adjv, tltab, lsbuf,
          posx, posy, posz, accx, accy, accz,
          gsem, ssem):
        cid = lax.axis_index("c")
        sid = lax.axis_index("s")
        wid = sid * NC + cid

        pltpu.sync_copy(tgt_hbm, tgtv)
        pltpu.sync_copy(adj_hbm, adjv)
        tltab[...] = tgtv[...] + adjv[...]

        slab = pl.ds(sid * NPT, NPT)
        pltpu.sync_copy(px_hbm.at[slab], posx.at[slab])
        pltpu.sync_copy(py_hbm.at[slab], posy.at[slab])
        pltpu.sync_copy(pz_hbm.at[slab], posz.at[slab])
        pltpu.sync_copy(zeros_hbm, accx.at[slab])
        pltpu.sync_copy(zeros_hbm, accy.at[slab])
        pltpu.sync_copy(zeros_hbm, accz.at[slab])
        plsc.subcore_barrier()

        def chunk_body(kk, loss):
            base = wid * EPW + kk * C
            pltpu.sync_copy(row_hbm.at[pl.ds(base, C)], rowidx)
            pltpu.sync_copy(col_hbm.at[pl.ds(base, C)], colidx)
            pltpu.sync_copy(bt_hbm.at[pl.ds(base, C)], btbuf)

            copies = []
            for src, dst in ((posx, rxb), (posy, ryb), (posz, rzb)):
                copies.append(pltpu.async_copy(src.at[rowidx], dst, gsem))
            for src, dst in ((posx, cxb), (posy, cyb), (posz, czb)):
                copies.append(pltpu.async_copy(src.at[colidx], dst, gsem))
            for h in copies:
                h.wait()

            def g_body(g, ls):
                o = pl.ds(pl.multiple_of(g * L, L), L)
                bvx = rxb[o] - cxb[o]
                bvy = ryb[o] - cyb[o]
                bvz = rzb[o] - czb[o]
                l2 = jnp.maximum(bvx * bvx + bvy * bvy + bvz * bvz, 1e-12)
                ii = plsc.bitcast(l2, jnp.int32)
                ii = 0x5F3759DF - lax.shift_right_logical(ii, 1)
                y = plsc.bitcast(ii, jnp.float32)
                xh = 0.5 * l2
                y = y * (1.5 - xh * y * y)
                y = y * (1.5 - xh * y * y)
                y = y * (1.5 - xh * y * y)
                ln = l2 * y
                tl = plsc.load_gather(tltab, [btbuf[o]])
                ls = ls + jnp.abs(ln - tl)
                ratio = jnp.clip(tl * y, 0.8, 1.2)
                s = (ratio - 1.0) * (0.5 * CORRECTION_FACTOR)
                ax = bvx * s
                ay = bvy * s
                az = bvz * s
                axb[o] = ax
                ayb[o] = ay
                azb[o] = az
                naxb[o] = -ax
                nayb[o] = -ay
                nazb[o] = -az
                return ls

            loss = lax.fori_loop(0, G, g_body, loss)

            scatters = []
            for src, dst in ((axb, accx), (ayb, accy), (azb, accz)):
                scatters.append(pltpu.async_copy(
                    src, dst.at[rowidx], ssem, add=True))
            for src, dst in ((naxb, accx), (nayb, accy), (nazb, accz)):
                scatters.append(pltpu.async_copy(
                    src, dst.at[colidx], ssem, add=True))
            for h in scatters:
                h.wait()
            return loss

        loss = lax.fori_loop(0, NCH, chunk_body, jnp.zeros((L,), jnp.float32))

        plsc.subcore_barrier()
        obase = cid * 3 * NP + sid * NPT
        pltpu.sync_copy(accx.at[slab], acc_out.at[pl.ds(obase, NPT)])
        pltpu.sync_copy(accy.at[slab], acc_out.at[pl.ds(obase + NP, NPT)])
        pltpu.sync_copy(accz.at[slab], acc_out.at[pl.ds(obase + 2 * NP, NPT)])
        lsbuf[...] = loss
        pltpu.sync_copy(lsbuf, loss_out.at[pl.ds((cid * NS + sid) * L, L)])

    return k


def kernel(pos, edge_index, bond_types, target_lengths, length_adjustment):
    N = pos.shape[0]
    E = edge_index.shape[1]
    NP = -(-N // (NS * 8)) * NS * 8
    pos32 = pos.astype(jnp.float32)
    planes = jnp.pad(pos32.T, ((0, 0), (0, NP - N)))
    row = edge_index[0].astype(jnp.int32)
    col = edge_index[1].astype(jnp.int32)
    bt = bond_types.astype(jnp.int32)
    tgt16 = jnp.zeros((L,), jnp.float32).at[:5].set(
        target_lengths.astype(jnp.float32))
    adj16 = jnp.zeros((L,), jnp.float32).at[:5].set(
        length_adjustment.astype(jnp.float32))
    zeros = jnp.zeros((NP // NS,), jnp.float32)

    acc, lpart = _sc_edge_kernel(E, NP)(
        planes[0], planes[1], planes[2], row, col, bt, tgt16, adj16, zeros)

    acc = acc.reshape(NC, 3, NP)
    pos_new = pos32 + (acc[0, :, :N] + acc[1, :, :N]).T
    loss = jnp.sum(lpart) * (CONSTRAINT_WEIGHT / E)
    return pos_new, loss

# --- scband reference (transcript-rebuilt; emitter-appended) ---
"""Pipeline reference for scband-bond-length-constraint-61048665145611 (READ-ONLY COPY).

The authoritative reference and input builder live on the scoring server;
editing this copy changes nothing except your own understanding.
"""

import jax, jax.numpy as jnp
import numpy as np

N_NODES = 100000
N_EDGES = 6400000
CONSTRAINT_WEIGHT = 0.1


def setup_inputs(seed: int = 0) -> dict:
    key = jax.random.key(seed)
    k1, k2, k3 = jax.random.split(key, 3)
    pos = jax.random.normal(k1, (N_NODES, 3), dtype=jnp.float32)
    edge_index = jax.random.randint(k2, (2, N_EDGES), 0, N_NODES, dtype=jnp.int64)
    bond_types = jax.random.randint(k3, (N_EDGES,), 0, 5, dtype=jnp.int64)
    # buffer: target bond lengths per bond type (values from the torch dict literal)
    target_lengths = jnp.array([1.54, 1.34, 1.2, 1.4, 1.47], dtype=jnp.float32)
    # learned parameter
    length_adjustment = jnp.ones((5,), dtype=jnp.float32) * 0.01
    return {
        "pos": pos,
        "edge_index": edge_index,
        "bond_types": bond_types,
        "target_lengths": target_lengths,
        "length_adjustment": length_adjustment,
    }


def reference(pos, edge_index, bond_types, target_lengths, length_adjustment):
    row = edge_index[0]
    col = edge_index[1]
    bond_vectors = pos[row] - pos[col]  # [E, 3] gather
    current_lengths = jnp.linalg.norm(bond_vectors, axis=-1, keepdims=True)  # [E, 1]
    current_lengths = jnp.clip(current_lengths, 1e-06, None)
    bt = jnp.clip(bond_types.astype(jnp.int64), 0, 4)
    tl = jnp.take(target_lengths, bt)[:, None]  # [E, 1]
    adj = jnp.take(length_adjustment, bt)[:, None]  # [E, 1]
    tl = tl + adj
    length_errors = jnp.abs(current_lengths - tl)
    constraint_loss = jnp.mean(length_errors) * CONSTRAINT_WEIGHT
    # soft constraint branch
    length_ratio = jnp.clip(tl / current_lengths, 0.8, 1.2)
    correction_factor = 0.1
    target_vectors = bond_vectors * length_ratio
    adjustment = (target_vectors - bond_vectors) * correction_factor
    pos_new = pos
    pos_new = pos_new.at[row].add(adjustment * 0.5)
    pos_new = pos_new.at[col].add(-adjustment * 0.5)
    return pos_new, constraint_loss


if False:  # reference __main__ guard neutralized (emitter)
    out = reference(**setup_inputs())
    print(out[0].shape, out[1])

if __name__ == "__main__":
    import jax
    _d = setup_inputs()
    print(jax.jit(kernel)(*tuple(_d.values())))

</pallas_src>

<mosaic_0001>
#map = affine_map<(d0, d1) -> (0)>
module attributes {stable_mosaic.version = 14 : i64} {
  func.func @k(%arg0: i32, %arg1: i32, %arg2: memref<100096xf32, #tpu.memory_space<hbm>>, %arg3: memref<100096xf32, #tpu.memory_space<hbm>>, %arg4: memref<100096xf32, #tpu.memory_space<hbm>>, %arg5: memref<6400000xi32, #tpu.memory_space<hbm>>, %arg6: memref<6400000xi32, #tpu.memory_space<hbm>>, %arg7: memref<6400000xi32, #tpu.memory_space<hbm>>, %arg8: memref<16xf32, #tpu.memory_space<hbm>>, %arg9: memref<16xf32, #tpu.memory_space<hbm>>, %arg10: memref<6256xf32, #tpu.memory_space<hbm>>, %arg11: memref<600576xf32, #tpu.memory_space<hbm>>, %arg12: memref<512xf32, #tpu.memory_space<hbm>>, %arg13: memref<1600xi32, #tpu.memory_space<vmem>>, %arg14: memref<1600xi32, #tpu.memory_space<vmem>>, %arg15: memref<1600xi32, #tpu.memory_space<vmem>>, %arg16: memref<1600xf32, #tpu.memory_space<vmem>>, %arg17: memref<1600xf32, #tpu.memory_space<vmem>>, %arg18: memref<1600xf32, #tpu.memory_space<vmem>>, %arg19: memref<1600xf32, #tpu.memory_space<vmem>>, %arg20: memref<1600xf32, #tpu.memory_space<vmem>>, %arg21: memref<1600xf32, #tpu.memory_space<vmem>>, %arg22: memref<1600xf32, #tpu.memory_space<vmem>>, %arg23: memref<1600xf32, #tpu.memory_space<vmem>>, %arg24: memref<1600xf32, #tpu.memory_space<vmem>>, %arg25: memref<1600xf32, #tpu.memory_space<vmem>>, %arg26: memref<1600xf32, #tpu.memory_space<vmem>>, %arg27: memref<1600xf32, #tpu.memory_space<vmem>>, %arg28: memref<16xf32, #tpu.memory_space<vmem>>, %arg29: memref<16xf32, #tpu.memory_space<vmem>>, %arg30: memref<16xf32, #tpu.memory_space<vmem>>, %arg31: memref<16xf32, #tpu.memory_space<vmem>>, %arg32: memref<100096xf32, #tpu.memory_space<vmem_shared>>, %arg33: memref<100096xf32, #tpu.memory_space<vmem_shared>>, %arg34: memref<100096xf32, #tpu.memory_space<vmem_shared>>, %arg35: memref<100096xf32, #tpu.memory_space<vmem_shared>>, %arg36: memref<100096xf32, #tpu.memory_space<vmem_shared>>, %arg37: memref<100096xf32, #tpu.memory_space<vmem_shared>>, %arg38: memref<!tpu.dma_semaphore, #tpu.memory_space<semaphore_mem>>, %arg39: memref<!tpu.dma_semaphore, #tpu.memory_space<semaphore_mem>>) attributes {dimension_semantics = [#tpu.dimension_semantics<core_parallel>, #tpu.dimension_semantics<subcore_parallel>], iteration_bounds = array<i64: 2, 16>, scalar_prefetch = 0 : i64, scratch_operands = 27 : i64, tpu.core_type = #tpu.core_type<sc_vector_subcore>, window_params = [{transform_indices = #map}, {transform_indices = #map}, {transform_indices = #map}, {transform_indices = #map}, {transform_indices = #map}, {transform_indices = #map}, {transform_indices = #map}, {transform_indices = #map}, {transform_indices = #map}, {transform_indices = #map}, {transform_indices = #map}]} {
    %mul3A = arith.constant 2 : i32
    %mul3A_0 = arith.muli %arg1, %mul3A : i32
    %add3A = arith.addi %mul3A_0, %arg0 : i32
    "tpu.region"() ({
      %run_scoped3A = tpu.sem_alloc : memref<!tpu.dma_semaphore, #tpu.memory_space<semaphore_mem>>
      tpu.enqueue_dma source(%arg8 : memref<16xf32, #tpu.memory_space<hbm>>) target(%arg28 : memref<16xf32, #tpu.memory_space<vmem>>) target_semaphore(%run_scoped3A : memref<!tpu.dma_semaphore, #tpu.memory_space<semaphore_mem>>)
      tpu.wait_dma2 semaphore(%run_scoped3A : memref<!tpu.dma_semaphore, #tpu.memory_space<semaphore_mem>>) src(%arg8 : memref<16xf32, #tpu.memory_space<hbm>>) dst(%arg28 : memref<16xf32, #tpu.memory_space<vmem>>)
      tpu.yield
    }) : () -> ()
    "tpu.region"() ({
      %run_scoped3A = tpu.sem_alloc : memref<!tpu.dma_semaphore, #tpu.memory_space<semaphore_mem>>
      tpu.enqueue_dma source(%arg9 : memref<16xf32, #tpu.memory_space<hbm>>) target(%arg29 : memref<16xf32, #tpu.memory_space<vmem>>) target_semaphore(%run_scoped3A : memref<!tpu.dma_semaphore, #tpu.memory_space<semaphore_mem>>)
      tpu.wait_dma2 semaphore(%run_scoped3A : memref<!tpu.dma_semaphore, #tpu.memory_space<semaphore_mem>>) src(%arg9 : memref<16xf32, #tpu.memory_space<hbm>>) dst(%arg29 : memref<16xf32, #tpu.memory_space<vmem>>)
      tpu.yield
    }) : () -> ()
    %get3A = arith.constant 0 : index
    %get3A_1 = tpu.vector_load %arg28[%get3A] {strides = array<i32>} : memref<16xf32, #tpu.memory_space<vmem>>, vector<16xf32>,
    %get3A_2 = arith.constant 0 : index
    %get3A_3 = tpu.vector_load %arg29[%get3A_2] {strides = array<i32>} : memref<16xf32, #tpu.memory_space<vmem>>, vector<16xf32>,
    %add3A_4 = arith.addf %get3A_1, %get3A_3 : vector<16xf32>
    %swap3A = arith.constant 0 : index
    %swap3A_5 = tpu.vector_load %arg30[%swap3A] {strides = array<i32>} : memref<16xf32, #tpu.memory_space<vmem>>, vector<16xf32>,
    tpu.vector_store %arg30[%swap3A], %add3A_4 {strides = array<i32>} : memref<16xf32, #tpu.memory_space<vmem>>, vector<16xf32>,
    %mul3A_6 = arith.constant 6256 : i32
    %mul3A_7 = arith.muli %arg1, %mul3A_6 : i32
    "tpu.region"() ({
      %run_scoped3A = tpu.sem_alloc : memref<!tpu.dma_semaphore, #tpu.memory_space<semaphore_mem>>
      %dma_start3A = tpu.memref_slice %arg32[%mul3A_7] : memref<100096xf32, #tpu.memory_space<vmem_shared>> -> memref<6256xf32, #tpu.memory_space<vmem_shared>>
      %dma_start3A_33 = tpu.memref_slice %arg2[%mul3A_7] : memref<100096xf32, #tpu.memory_space<hbm>> -> memref<6256xf32, #tpu.memory_space<hbm>>
      tpu.enqueue_dma source(%dma_start3A_33 : memref<6256xf32, #tpu.memory_space<hbm>>) target(%dma_start3A : memref<6256xf32, #tpu.memory_space<vmem_shared>>) target_semaphore(%run_scoped3A : memref<!tpu.dma_semaphore, #tpu.memory_space<semaphore_mem>>)
      %dma_wait3A = tpu.memref_slice %arg32[%mul3A_7] : memref<100096xf32, #tpu.memory_space<vmem_shared>> -> memref<6256xf32, #tpu.memory_space<vmem_shared>>
      %dma_wait3A_34 = tpu.memref_slice %arg2[%mul3A_7] : memref<100096xf32, #tpu.memory_space<hbm>> -> memref<6256xf32, #tpu.memory_space<hbm>>
      tpu.wait_dma2 semaphore(%run_scoped3A : memref<!tpu.dma_semaphore, #tpu.memory_space<semaphore_mem>>) src(%dma_wait3A_34 : memref<6256xf32, #tpu.memory_space<hbm>>) dst(%dma_wait3A : memref<6256xf32, #tpu.memory_space<vmem_shared>>)
      tpu.yield
    }) : () -> ()
    "tpu.region"() ({
      %run_scoped3A = tpu.sem_alloc : memref<!tpu.dma_semaphore, #tpu.memory_space<semaphore_mem>>
      %dma_start3A = tpu.memref_slice %arg33[%mul3A_7] : memref<100096xf32, #tpu.memory_space<vmem_shared>> -> memref<6256xf32, #tpu.memory_space<vmem_shared>>
      %dma_start3A_33 = tpu.memref_slice %arg3[%mul3A_7] : memref<100096xf32, #tpu.memory_space<hbm>> -> memref<6256xf32, #tpu.memory_space<hbm>>
      tpu.enqueue_dma source(%dma_start3A_33 : memref<6256xf32, #tpu.memory_space<hbm>>) target(%dma_start3A : memref<6256xf32, #tpu.memory_space<vmem_shared>>) target_semaphore(%run_scoped3A : memref<!tpu.dma_semaphore, #tpu.memory_space<semaphore_mem>>)
      %dma_wait3A = tpu.memref_slice %arg33[%mul3A_7] : memref<100096xf32, #tpu.memory_space<vmem_shared>> -> memref<6256xf32, #tpu.memory_space<vmem_shared>>
      %dma_wait3A_34 = tpu.memref_slice %arg3[%mul3A_7] : memref<100096xf32, #tpu.memory_space<hbm>> -> memref<6256xf32, #tpu.memory_space<hbm>>
      tpu.wait_dma2 semaphore(%run_scoped3A : memref<!tpu.dma_semaphore, #tpu.memory_space<semaphore_mem>>) src(%dma_wait3A_34 : memref<6256xf32, #tpu.memory_space<hbm>>) dst(%dma_wait3A : memref<6256xf32, #tpu.memory_space<vmem_shared>>)
      tpu.yield
    }) : () -> ()
    "tpu.region"() ({
      %run_scoped3A = tpu.sem_alloc : memref<!tpu.dma_semaphore, #tpu.memory_space<semaphore_mem>>
      %dma_start3A = tpu.memref_slice %arg34[%mul3A_7] : memref<100096xf32, #tpu.memory_space<vmem_shared>> -> memref<6256xf32, #tpu.memory_space<vmem_shared>>
      %dma_start3A_33 = tpu.memref_slice %arg4[%mul3A_7] : memref<100096xf32, #tpu.memory_space<hbm>> -> memref<6256xf32, #tpu.memory_space<hbm>>
      tpu.enqueue_dma source(%dma_start3A_33 : memref<6256xf32, #tpu.memory_space<hbm>>) target(%dma_start3A : memref<6256xf32, #tpu.memory_space<vmem_shared>>) target_semaphore(%run_scoped3A : memref<!tpu.dma_semaphore, #tpu.memory_space<semaphore_mem>>)
      %dma_wait3A = tpu.memref_slice %arg34[%mul3A_7] : memref<100096xf32, #tpu.memory_space<vmem_shared>> -> memref<6256xf32, #tpu.memory_space<vmem_shared>>
      %dma_wait3A_34 = tpu.memref_slice %arg4[%mul3A_7] : memref<100096xf32, #tpu.memory_space<hbm>> -> memref<6256xf32, #tpu.memory_space<hbm>>
      tpu.wait_dma2 semaphore(%run_scoped3A : memref<!tpu.dma_semaphore, #tpu.memory_space<semaphore_mem>>) src(%dma_wait3A_34 : memref<6256xf32, #tpu.memory_space<hbm>>) dst(%dma_wait3A : memref<6256xf32, #tpu.memory_space<vmem_shared>>)
      tpu.yield
    }) : () -> ()
    "tpu.region"() ({
      %run_scoped3A = tpu.sem_alloc : memref<!tpu.dma_semaphore, #tpu.memory_space<semaphore_mem>>
      %dma_start3A = tpu.memref_slice %arg35[%mul3A_7] : memref<100096xf32, #tpu.memory_space<vmem_shared>> -> memref<6256xf32, #tpu.memory_space<vmem_shared>>
      tpu.enqueue_dma source(%arg10 : memref<6256xf32, #tpu.memory_space<hbm>>) target(%dma_start3A : memref<6256xf32, #tpu.memory_space<vmem_shared>>) target_semaphore(%run_scoped3A : memref<!tpu.dma_semaphore, #tpu.memory_space<semaphore_mem>>)
      %dma_wait3A = tpu.memref_slice %arg35[%mul3A_7] : memref<100096xf32, #tpu.memory_space<vmem_shared>> -> memref<6256xf32, #tpu.memory_space<vmem_shared>>
      tpu.wait_dma2 semaphore(%run_scoped3A : memref<!tpu.dma_semaphore, #tpu.memory_space<semaphore_mem>>) src(%arg10 : memref<6256xf32, #tpu.memory_space<hbm>>) dst(%dma_wait3A : memref<6256xf32, #tpu.memory_space<vmem_shared>>)
      tpu.yield
    }) : () -> ()
    "tpu.region"() ({
      %run_scoped3A = tpu.sem_alloc : memref<!tpu.dma_semaphore, #tpu.memory_space<semaphore_mem>>
      %dma_start3A = tpu.memref_slice %arg36[%mul3A_7] : memref<100096xf32, #tpu.memory_space<vmem_shared>> -> memref<6256xf32, #tpu.memory_space<vmem_shared>>
      tpu.enqueue_dma source(%arg10 : memref<6256xf32, #tpu.memory_space<hbm>>) target(%dma_start3A : memref<6256xf32, #tpu.memory_space<vmem_shared>>) target_semaphore(%run_scoped3A : memref<!tpu.dma_semaphore, #tpu.memory_space<semaphore_mem>>)
      %dma_wait3A = tpu.memref_slice %arg36[%mul3A_7] : memref<100096xf32, #tpu.memory_space<vmem_shared>> -> memref<6256xf32, #tpu.memory_space<vmem_shared>>
      tpu.wait_dma2 semaphore(%run_scoped3A : memref<!tpu.dma_semaphore, #tpu.memory_space<semaphore_mem>>) src(%arg10 : memref<6256xf32, #tpu.memory_space<hbm>>) dst(%dma_wait3A : memref<6256xf32, #tpu.memory_space<vmem_shared>>)
      tpu.yield
    }) : () -> ()
    "tpu.region"() ({
      %run_scoped3A = tpu.sem_alloc : memref<!tpu.dma_semaphore, #tpu.memory_space<semaphore_mem>>
      %dma_start3A = tpu.memref_slice %arg37[%mul3A_7] : memref<100096xf32, #tpu.memory_space<vmem_shared>> -> memref<6256xf32, #tpu.memory_space<vmem_shared>>
      tpu.enqueue_dma source(%arg10 : memref<6256xf32, #tpu.memory_space<hbm>>) target(%dma_start3A : memref<6256xf32, #tpu.memory_space<vmem_shared>>) target_semaphore(%run_scoped3A : memref<!tpu.dma_semaphore, #tpu.memory_space<semaphore_mem>>)
      %dma_wait3A = tpu.memref_slice %arg37[%mul3A_7] : memref<100096xf32, #tpu.memory_space<vmem_shared>> -> memref<6256xf32, #tpu.memory_space<vmem_shared>>
      tpu.wait_dma2 semaphore(%run_scoped3A : memref<!tpu.dma_semaphore, #tpu.memory_space<semaphore_mem>>) src(%arg10 : memref<6256xf32, #tpu.memory_space<hbm>>) dst(%dma_wait3A : memref<6256xf32, #tpu.memory_space<vmem_shared>>)
      tpu.yield
    }) : () -> ()
    %barrier3A = arith.constant 0 : index
    tpu.barrier barrier_id(%barrier3A)
    %broadcast_in_dim3A = arith.constant 0.000000e+00 : f32
    %broadcast_in_dim3A_8 = vector.broadcast %broadcast_in_dim3A : f32 to vector<16xf32>
    %scan3A = arith.constant 0 : i32
    %scan3A_9 = arith.constant 125 : i32
    %scan3A_10 = arith.addi %scan3A, %scan3A_9 : i32
    %scan3A_11 = arith.constant 1 : i32
    %scan3A_12 = scf.for %scan3A_33 = %scan3A to %scan3A_10 step %scan3A_11 iter_args(%scan3A_34 = %broadcast_in_dim3A_8) -> (vector<16xf32>)  : i32 {
      %mul3A_35 = arith.constant 200000 : i32
      %mul3A_36 = arith.muli %add3A, %mul3A_35 : i32
      %mul3A_37 = arith.constant 1600 : i32
      %mul3A_38 = arith.muli %scan3A_33, %mul3A_37 : i32
      %add3A_39 = arith.addi %mul3A_36, %mul3A_38 : i32
      "tpu.region"() ({
        %run_scoped3A = tpu.sem_alloc : memref<!tpu.dma_semaphore, #tpu.memory_space<semaphore_mem>>
        %dma_start3A_92 = tpu.memref_slice %arg5[%add3A_39] : memref<6400000xi32, #tpu.memory_space<hbm>> -> memref<1600xi32, #tpu.memory_space<hbm>>
        %dma_start3A_93 = tpu.memref_slice %arg5[%add3A_39] : memref<6400000xi32, #tpu.memory_space<hbm>> -> memref<1600xi32, #tpu.memory_space<hbm>>
        tpu.enqueue_dma source(%dma_start3A_93 : memref<1600xi32, #tpu.memory_space<hbm>>) target(%arg13 : memref<1600xi32, #tpu.memory_space<vmem>>) target_semaphore(%run_scoped3A : memref<!tpu.dma_semaphore, #tpu.memory_space<semaphore_mem>>)
        %dma_wait3A_94 = tpu.memref_slice %arg5[%add3A_39] : memref<6400000xi32, #tpu.memory_space<hbm>> -> memref<1600xi32, #tpu.memory_space<hbm>>
        %dma_wait3A_95 = tpu.memref_slice %arg5[%add3A_39] : memref<6400000xi32, #tpu.memory_space<hbm>> -> memref<1600xi32, #tpu.memory_space<hbm>>
        tpu.wait_dma2 semaphore(%run_scoped3A : memref<!tpu.dma_semaphore, #tpu.memory_space<semaphore_mem>>) src(%dma_wait3A_95 : memref<1600xi32, #tpu.memory_space<hbm>>) dst(%arg13 : memref<1600xi32, #tpu.memory_space<vmem>>)
        tpu.yield
      }) : () -> ()
      "tpu.region"() ({
        %run_scoped3A = tpu.sem_alloc : memref<!tpu.dma_semaphore, #tpu.memory_space<semaphore_mem>>
        %dma_start3A_92 = tpu.memref_slice %arg6[%add3A_39] : memref<6400000xi32, #tpu.memory_space<hbm>> -> memref<1600xi32, #tpu.memory_space<hbm>>
        %dma_start3A_93 = tpu.memref_slice %arg6[%add3A_39] : memref<6400000xi32, #tpu.memory_space<hbm>> -> memref<1600xi32, #tpu.memory_space<hbm>>
        tpu.enqueue_dma source(%dma_start3A_93 : memref<1600xi32, #tpu.memory_space<hbm>>) target(%arg14 : memref<1600xi32, #tpu.memory_space<vmem>>) target_semaphore(%run_scoped3A : memref<!tpu.dma_semaphore, #tpu.memory_space<semaphore_mem>>)
        %dma_wait3A_94 = tpu.memref_slice %arg6[%add3A_39] : memref<6400000xi32, #tpu.memory_space<hbm>> -> memref<1600xi32, #tpu.memory_space<hbm>>
        %dma_wait3A_95 = tpu.memref_slice %arg6[%add3A_39] : memref<6400000xi32, #tpu.memory_space<hbm>> -> memref<1600xi32, #tpu.memory_space<hbm>>
        tpu.wait_dma2 semaphore(%run_scoped3A : memref<!tpu.dma_semaphore, #tpu.memory_space<semaphore_mem>>) src(%dma_wait3A_95 : memref<1600xi32, #tpu.memory_space<hbm>>) dst(%arg14 : memref<1600xi32, #tpu.memory_space<vmem>>)
        tpu.yield
      }) : () -> ()
      "tpu.region"() ({
        %run_scoped3A = tpu.sem_alloc : memref<!tpu.dma_semaphore, #tpu.memory_space<semaphore_mem>>
        %dma_start3A_92 = tpu.memref_slice %arg7[%add3A_39] : memref<6400000xi32, #tpu.memory_space<hbm>> -> memref<1600xi32, #tpu.memory_space<hbm>>
        %dma_start3A_93 = tpu.memref_slice %arg7[%add3A_39] : memref<6400000xi32, #tpu.memory_space<hbm>> -> memref<1600xi32, #tpu.memory_space<hbm>>
        tpu.enqueue_dma source(%dma_start3A_93 : memref<1600xi32, #tpu.memory_space<hbm>>) target(%arg15 : memref<1600xi32, #tpu.memory_space<vmem>>) target_semaphore(%run_scoped3A : memref<!tpu.dma_semaphore, #tpu.memory_space<semaphore_mem>>)
        %dma_wait3A_94 = tpu.memref_slice %arg7[%add3A_39] : memref<6400000xi32, #tpu.memory_space<hbm>> -> memref<1600xi32, #tpu.memory_space<hbm>>
        %dma_wait3A_95 = tpu.memref_slice %arg7[%add3A_39] : memref<6400000xi32, #tpu.memory_space<hbm>> -> memref<1600xi32, #tpu.memory_space<hbm>>
        tpu.wait_dma2 semaphore(%run_scoped3A : memref<!tpu.dma_semaphore, #tpu.memory_space<semaphore_mem>>) src(%dma_wait3A_95 : memref<1600xi32, #tpu.memory_space<hbm>>) dst(%arg15 : memref<1600xi32, #tpu.memory_space<vmem>>)
        tpu.yield
      }) : () -> ()
      %dma_start3A = arith.constant 0 : i32
      %dma_start3A_40 = tpu.memref_slice %arg32[%dma_start3A] : memref<100096xf32, #tpu.memory_space<vmem_shared>> -> memref<100096xf32, #tpu.memory_space<vmem_shared>>
      tpu.enqueue_indirect_dma source(%dma_start3A_40 : memref<100096xf32, #tpu.memory_space<vmem_shared>>) target(%arg16 : memref<1600xf32, #tpu.memory_space<vmem>>) offsets(%arg13 : memref<1600xi32, #tpu.memory_space<vmem>>) semaphore(%arg38 : memref<!tpu.dma_semaphore, #tpu.memory_space<semaphore_mem>>)
      %dma_start3A_41 = arith.constant 0 : i32
      %dma_start3A_42 = tpu.memref_slice %arg33[%dma_start3A_41] : memref<100096xf32, #tpu.memory_space<vmem_shared>> -> memref<100096xf32, #tpu.memory_space<vmem_shared>>
      tpu.enqueue_indirect_dma source(%dma_start3A_42 : memref<100096xf32, #tpu.memory_space<vmem_shared>>) target(%arg17 : memref<1600xf32, #tpu.memory_space<vmem>>) offsets(%arg13 : memref<1600xi32, #tpu.memory_space<vmem>>) semaphore(%arg38 : memref<!tpu.dma_semaphore, #tpu.memory_space<semaphore_mem>>)
      %dma_start3A_43 = arith.constant 0 : i32
      %dma_start3A_44 = tpu.memref_slice %arg34[%dma_start3A_43] : memref<100096xf32, #tpu.memory_space<vmem_shared>> -> memref<100096xf32, #tpu.memory_space<vmem_shared>>
      tpu.enqueue_indirect_dma source(%dma_start3A_44 : memref<100096xf32, #tpu.memory_space<vmem_shared>>) target(%arg18 : memref<1600xf32, #tpu.memory_space<vmem>>) offsets(%arg13 : memref<1600xi32, #tpu.memory_space<vmem>>) semaphore(%arg38 : memref<!tpu.dma_semaphore, #tpu.memory_space<semaphore_mem>>)
      %dma_start3A_45 = arith.constant 0 : i32
      %dma_start3A_46 = tpu.memref_slice %arg32[%dma_start3A_45] : memref<100096xf32, #tpu.memory_space<vmem_shared>> -> memref<100096xf32, #tpu.memory_space<vmem_shared>>
      tpu.enqueue_indirect_dma source(%dma_start3A_46 : memref<100096xf32, #tpu.memory_space<vmem_shared>>) target(%arg19 : memref<1600xf32, #tpu.memory_space<vmem>>) offsets(%arg14 : memref<1600xi32, #tpu.memory_space<vmem>>) semaphore(%arg38 : memref<!tpu.dma_semaphore, #tpu.memory_space<semaphore_mem>>)
      %dma_start3A_47 = arith.constant 0 : i32
      %dma_start3A_48 = tpu.memref_slice %arg33[%dma_start3A_47] : memref<100096xf32, #tpu.memory_space<vmem_shared>> -> memref<100096xf32, #tpu.memory_space<vmem_shared>>
      tpu.enqueue_indirect_dma source(%dma_start3A_48 : memref<100096xf32, #tpu.memory_space<vmem_shared>>) target(%arg20 : memref<1600xf32, #tpu.memory_space<vmem>>) offsets(%arg14 : memref<1600xi32, #tpu.memory_space<vmem>>) semaphore(%arg38 : memref<!tpu.dma_semaphore, #tpu.memory_space<semaphore_mem>>)
      %dma_start3A_49 = arith.constant 0 : i32
      %dma_start3A_50 = tpu.memref_slice %arg34[%dma_start3A_49] : memref<100096xf32, #tpu.memory_space<vmem_shared>> -> memref<100096xf32, #tpu.memory_space<vmem_shared>>
      tpu.enqueue_indirect_dma source(%dma_start3A_50 : memref<100096xf32, #tpu.memory_space<vmem_shared>>) target(%arg21 : memref<1600xf32, #tpu.memory_space<vmem>>) offsets(%arg14 : memref<1600xi32, #tpu.memory_space<vmem>>) semaphore(%arg38 : memref<!tpu.dma_semaphore, #tpu.memory_space<semaphore_mem>>)
      %dma_wait3A = arith.constant 0 : i32
      %dma_wait3A_51 = tpu.memref_slice %arg32[%dma_wait3A] : memref<100096xf32, #tpu.memory_space<vmem_shared>> -> memref<100096xf32, #tpu.memory_space<vmem_shared>>
      tpu.wait_indirect_dma semaphore(%arg38 : memref<!tpu.dma_semaphore, #tpu.memory_space<semaphore_mem>>) src(%dma_wait3A_51 : memref<100096xf32, #tpu.memory_space<vmem_shared>>) dst(%arg16 : memref<1600xf32, #tpu.memory_space<vmem>>)
      %dma_wait3A_52 = arith.constant 0 : i32
      %dma_wait3A_53 = tpu.memref_slice %arg33[%dma_wait3A_52] : memref<100096xf32, #tpu.memory_space<vmem_shared>> -> memref<100096xf32, #tpu.memory_space<vmem_shared>>
      tpu.wait_indirect_dma semaphore(%arg38 : memref<!tpu.dma_semaphore, #tpu.memory_space<semaphore_mem>>) src(%dma_wait3A_53 : memref<100096xf32, #tpu.memory_space<vmem_shared>>) dst(%arg17 : memref<1600xf32, #tpu.memory_space<vmem>>)
      %dma_wait3A_54 = arith.constant 0 : i32
      %dma_wait3A_55 = tpu.memref_slice %arg34[%dma_wait3A_54] : memref<100096xf32, #tpu.memory_space<vmem_shared>> -> memref<100096xf32, #tpu.memory_space<vmem_shared>>
      tpu.wait_indirect_dma semaphore(%arg38 : memref<!tpu.dma_semaphore, #tpu.memory_space<semaphore_mem>>) src(%dma_wait3A_55 : memref<100096xf32, #tpu.memory_space<vmem_shared>>) dst(%arg18 : memref<1600xf32, #tpu.memory_space<vmem>>)
      %dma_wait3A_56 = arith.constant 0 : i32
      %dma_wait3A_57 = tpu.memref_slice %arg32[%dma_wait3A_56] : memref<100096xf32, #tpu.memory_space<vmem_shared>> -> memref<100096xf32, #tpu.memory_space<vmem_shared>>
      tpu.wait_indirect_dma semaphore(%arg38 : memref<!tpu.dma_semaphore, #tpu.memory_space<semaphore_mem>>) src(%dma_wait3A_57 : memref<100096xf32, #tpu.memory_space<vmem_shared>>) dst(%arg19 : memref<1600xf32, #tpu.memory_space<vmem>>)
      %dma_wait3A_58 = arith.constant 0 : i32
      %dma_wait3A_59 = tpu.memref_slice %arg33[%dma_wait3A_58] : memref<100096xf32, #tpu.memory_space<vmem_shared>> -> memref<100096xf32, #tpu.memory_space<vmem_shared>>
      tpu.wait_indirect_dma semaphore(%arg38 : memref<!tpu.dma_semaphore, #tpu.memory_space<semaphore_mem>>) src(%dma_wait3A_59 : memref<100096xf32, #tpu.memory_space<vmem_shared>>) dst(%arg20 : memref<1600xf32, #tpu.memory_space<vmem>>)
      %dma_wait3A_60 = arith.constant 0 : i32
      %dma_wait3A_61 = tpu.memref_slice %arg34[%dma_wait3A_60] : memref<100096xf32, #tpu.memory_space<vmem_shared>> -> memref<100096xf32, #tpu.memory_space<vmem_shared>>
      tpu.wait_indirect_dma semaphore(%arg38 : memref<!tpu.dma_semaphore, #tpu.memory_space<semaphore_mem>>) src(%dma_wait3A_61 : memref<100096xf32, #tpu.memory_space<vmem_shared>>) dst(%arg21 : memref<1600xf32, #tpu.memory_space<vmem>>)
      %scan3A_62 = arith.constant 0 : i32
      %scan3A_63 = arith.constant 100 : i32
      %scan3A_64 = arith.addi %scan3A_62, %scan3A_63 : i32
      %scan3A_65 = arith.constant 1 : i32
      %scan3A_66 = scf.for %scan3A_92 = %scan3A_62 to %scan3A_64 step %scan3A_65 iter_args(%scan3A_93 = %scan3A_34) -> (vector<16xf32>)  : i32 {
        %mul3A_94 = arith.constant 16 : i32
        %mul3A_95 = arith.muli %scan3A_92, %mul3A_94 : i32
        %multiple_of3A = tpu.assume_multiple %mul3A_95, 16 : i32
        %get3A_96 = arith.index_cast %multiple_of3A : i32 to index
        %get3A_97 = tpu.vector_load %arg16[%get3A_96] {strides = array<i32>} : memref<1600xf32, #tpu.memory_space<vmem>>, vector<16xf32>,
        %get3A_98 = arith.index_cast %multiple_of3A : i32 to index
        %get3A_99 = tpu.vector_load %arg19[%get3A_98] {strides = array<i32>} : memref<1600xf32, #tpu.memory_space<vmem>>, vector<16xf32>,
        %sub3A = arith.subf %get3A_97, %get3A_99 : vector<16xf32>
        %get3A_100 = arith.index_cast %multiple_of3A : i32 to index
        %get3A_101 = tpu.vector_load %arg17[%get3A_100] {strides = array<i32>} : memref<1600xf32, #tpu.memory_space<vmem>>, vector<16xf32>,
        %get3A_102 = arith.index_cast %multiple_of3A : i32 to index
        %get3A_103 = tpu.vector_load %arg20[%get3A_102] {strides = array<i32>} : memref<1600xf32, #tpu.memory_space<vmem>>, vector<16xf32>,
        %sub3A_104 = arith.subf %get3A_101, %get3A_103 : vector<16xf32>
        %get3A_105 = arith.index_cast %multiple_of3A : i32 to index
        %get3A_106 = tpu.vector_load %arg18[%get3A_105] {strides = array<i32>} : memref<1600xf32, #tpu.memory_space<vmem>>, vector<16xf32>,
        %get3A_107 = arith.index_cast %multiple_of3A : i32 to index
        %get3A_108 = tpu.vector_load %arg21[%get3A_107] {strides = array<i32>} : memref<1600xf32, #tpu.memory_space<vmem>>, vector<16xf32>,
        %sub3A_109 = arith.subf %get3A_106, %get3A_108 : vector<16xf32>
        %mul3A_110 = arith.mulf %sub3A, %sub3A : vector<16xf32>
        %mul3A_111 = arith.mulf %sub3A_104, %sub3A_104 : vector<16xf32>
        %add3A_112 = arith.addf %mul3A_110, %mul3A_111 : vector<16xf32>
        %mul3A_113 = arith.mulf %sub3A_109, %sub3A_109 : vector<16xf32>
        %add3A_114 = arith.addf %add3A_112, %mul3A_113 : vector<16xf32>
        %max3A = arith.constant 9.99999996E-13 : f32
        %max3A_115 = vector.broadcast %max3A : f32 to vector<16xf32>
        %max3A_116 = arith.maximumf %add3A_114, %max3A_115 : vector<16xf32>
        %bitcast3A = vector.bitcast %max3A_116 : vector<16xf32> to vector<16xi32>
        %shift_right_logical3A = arith.constant 1 : i32
        %shift_right_logical3A_117 = vector.broadcast %shift_right_logical3A : i32 to vector<16xi32>
        %shift_right_logical3A_118 = arith.shrui %bitcast3A, %shift_right_logical3A_117 : vector<16xi32>
        %sub3A_119 = arith.constant 1597463007 : i32
        %sub3A_120 = vector.broadcast %sub3A_119 : i32 to vector<16xi32>
        %sub3A_121 = arith.subi %sub3A_120, %shift_right_logical3A_118 : vector<16xi32>
        %bitcast3A_122 = vector.bitcast %sub3A_121 : vector<16xi32> to vector<16xf32>
        %mul3A_123 = arith.constant 5.000000e-01 : f32
        %mul3A_124 = vector.broadcast %mul3A_123 : f32 to vector<16xf32>
        %mul3A_125 = arith.mulf %mul3A_124, %max3A_116 : vector<16xf32>
        %mul3A_126 = arith.mulf %mul3A_125, %bitcast3A_122 : vector<16xf32>
        %mul3A_127 = arith.mulf %mul3A_126, %bitcast3A_122 : vector<16xf32>
        %sub3A_128 = arith.constant 1.500000e+00 : f32
        %sub3A_129 = vector.broadcast %sub3A_128 : f32 to vector<16xf32>
        %sub3A_130 = arith.subf %sub3A_129, %mul3A_127 : vector<16xf32>
        %mul3A_131 = arith.mulf %bitcast3A_122, %sub3A_130 : vector<16xf32>
        %mul3A_132 = arith.mulf %mul3A_125, %mul3A_131 : vector<16xf32>
        %mul3A_133 = arith.mulf %mul3A_132, %mul3A_131 : vector<16xf32>
        %sub3A_134 = arith.constant 1.500000e+00 : f32
        %sub3A_135 = vector.broadcast %sub3A_134 : f32 to vector<16xf32>
        %sub3A_136 = arith.subf %sub3A_135, %mul3A_133 : vector<16xf32>
        %mul3A_137 = arith.mulf %mul3A_131, %sub3A_136 : vector<16xf32>
        %mul3A_138 = arith.mulf %mul3A_125, %mul3A_137 : vector<16xf32>
        %mul3A_139 = arith.mulf %mul3A_138, %mul3A_137 : vector<16xf32>
        %sub3A_140 = arith.constant 1.500000e+00 : f32
        %sub3A_141 = vector.broadcast %sub3A_140 : f32 to vector<16xf32>
        %sub3A_142 = arith.subf %sub3A_141, %mul3A_139 : vector<16xf32>
        %mul3A_143 = arith.mulf %mul3A_137, %sub3A_142 : vector<16xf32>
        %mul3A_144 = arith.mulf %max3A_116, %mul3A_143 : vector<16xf32>
        %get3A_145 = arith.index_cast %multiple_of3A : i32 to index
        %get3A_146 = tpu.vector_load %arg15[%get3A_145] {strides = array<i32>} : memref<1600xi32, #tpu.memory_space<vmem>>, vector<16xi32>,
        %gather3A = tpu.vector_load_idx %arg30[%get3A_146] : memref<16xf32, #tpu.memory_space<vmem>>[vector<16xi32>], vector<16xf32>,
        %sub3A_147 = arith.subf %mul3A_144, %gather3A : vector<16xf32>
        %abs3A = math.absf %sub3A_147 : vector<16xf32>
        %add3A_148 = arith.addf %scan3A_93, %abs3A : vector<16xf32>
        %mul3A_149 = arith.mulf %gather3A, %mul3A_143 : vector<16xf32>
        %jit3A = arith.constant 8.000000e-01 : f32
        %jit3A_150 = arith.constant 1.200000e+00 : f32
        %max3A_151 = vector.broadcast %jit3A : f32 to vector<16xf32>
        %max3A_152 = arith.maximumf %max3A_151, %mul3A_149 : vector<16xf32>
        %min3A = vector.broadcast %jit3A_150 : f32 to vector<16xf32>
        %min3A_153 = arith.minimumf %min3A, %max3A_152 : vector<16xf32>
        %sub3A_154 = arith.constant 1.000000e+00 : f32
        %sub3A_155 = vector.broadcast %sub3A_154 : f32 to vector<16xf32>
        %sub3A_156 = arith.subf %min3A_153, %sub3A_155 : vector<16xf32>
        %mul3A_157 = arith.constant 5.000000e-02 : f32
        %mul3A_158 = vector.broadcast %mul3A_157 : f32 to vector<16xf32>
        %mul3A_159 = arith.mulf %sub3A_156, %mul3A_158 : vector<16xf32>
        %mul3A_160 = arith.mulf %sub3A, %mul3A_159 : vector<16xf32>
        %mul3A_161 = arith.mulf %sub3A_104, %mul3A_159 : vector<16xf32>
        %mul3A_162 = arith.mulf %sub3A_109, %mul3A_159 : vector<16xf32>
        %swap3A_163 = arith.index_cast %multiple_of3A : i32 to index
        %swap3A_164 = tpu.vector_load %arg22[%swap3A_163] {strides = array<i32>} : memref<1600xf32, #tpu.memory_space<vmem>>, vector<16xf32>,
        tpu.vector_store %arg22[%swap3A_163], %mul3A_160 {strides = array<i32>} : memref<1600xf32, #tpu.memory_space<vmem>>, vector<16xf32>,
        %swap3A_165 = arith.index_cast %multiple_of3A : i32 to index
        %swap3A_166 = tpu.vector_load %arg23[%swap3A_165] {strides = array<i32>} : memref<1600xf32, #tpu.memory_space<vmem>>, vector<16xf32>,
        tpu.vector_store %arg23[%swap3A_165], %mul3A_161 {strides = array<i32>} : memref<1600xf32, #tpu.memory_space<vmem>>, vector<16xf32>,
        %swap3A_167 = arith.index_cast %multiple_of3A : i32 to index
        %swap3A_168 = tpu.vector_load %arg24[%swap3A_167] {strides = array<i32>} : memref<1600xf32, #tpu.memory_space<vmem>>, vector<16xf32>,
        tpu.vector_store %arg24[%swap3A_167], %mul3A_162 {strides = array<i32>} : memref<1600xf32, #tpu.memory_space<vmem>>, vector<16xf32>,
        %neg3A = arith.constant 0.000000e+00 : f32
        %neg3A_169 = vector.broadcast %neg3A : f32 to vector<16xf32>
        %neg3A_170 = arith.subf %neg3A_169, %mul3A_160 : vector<16xf32>
        %swap3A_171 = arith.index_cast %multiple_of3A : i32 to index
        %swap3A_172 = tpu.vector_load %arg25[%swap3A_171] {strides = array<i32>} : memref<1600xf32, #tpu.memory_space<vmem>>, vector<16xf32>,
        tpu.vector_store %arg25[%swap3A_171], %neg3A_170 {strides = array<i32>} : memref<1600xf32, #tpu.memory_space<vmem>>, vector<16xf32>,
        %neg3A_173 = arith.constant 0.000000e+00 : f32
        %neg3A_174 = vector.broadcast %neg3A_173 : f32 to vector<16xf32>
        %neg3A_175 = arith.subf %neg3A_174, %mul3A_161 : vector<16xf32>
        %swap3A_176 = arith.index_cast %multiple_of3A : i32 to index
        %swap3A_177 = tpu.vector_load %arg26[%swap3A_176] {strides = array<i32>} : memref<1600xf32, #tpu.memory_space<vmem>>, vector<16xf32>,
        tpu.vector_store %arg26[%swap3A_176], %neg3A_175 {strides = array<i32>} : memref<1600xf32, #tpu.memory_space<vmem>>, vector<16xf32>,
        %neg3A_178 = arith.constant 0.000000e+00 : f32
        %neg3A_179 = vector.broadcast %neg3A_178 : f32 to vector<16xf32>
        %neg3A_180 = arith.subf %neg3A_179, %mul3A_162 : vector<16xf32>
        %swap3A_181 = arith.index_cast %multiple_of3A : i32 to index
        %swap3A_182 = tpu.vector_load %arg27[%swap3A_181] {strides = array<i32>} : memref<1600xf32, #tpu.memory_space<vmem>>, vector<16xf32>,
        tpu.vector_store %arg27[%swap3A_181], %neg3A_180 {strides = array<i32>} : memref<1600xf32, #tpu.memory_space<vmem>>, vector<16xf32>,
        scf.yield %add3A_148 : vector<16xf32>
      }
      %scan3A_67 = arith.constant 100 : i32
      %dma_start3A_68 = arith.constant 0 : i32
      %dma_start3A_69 = tpu.memref_slice %arg35[%dma_start3A_68] : memref<100096xf32, #tpu.memory_space<vmem_shared>> -> memref<100096xf32, #tpu.memory_space<vmem_shared>>
      tpu.enqueue_indirect_dma source(%arg22 : memref<1600xf32, #tpu.memory_space<vmem>>) target(%dma_start3A_69 : memref<100096xf32, #tpu.memory_space<vmem_shared>>) offsets(%arg13 : memref<1600xi32, #tpu.memory_space<vmem>>) semaphore(%arg39 : memref<!tpu.dma_semaphore, #tpu.memory_space<semaphore_mem>>) {add = true}
      %dma_start3A_70 = arith.constant 0 : i32
      %dma_start3A_71 = tpu.memref_slice %arg36[%dma_start3A_70] : memref<100096xf32, #tpu.memory_space<vmem_shared>> -> memref<100096xf32, #tpu.memory_space<vmem_shared>>
      tpu.enqueue_indirect_dma source(%arg23 : memref<1600xf32, #tpu.memory_space<vmem>>) target(%dma_start3A_71 : memref<100096xf32, #tpu.memory_space<vmem_shared>>) offsets(%arg13 : memref<1600xi32, #tpu.memory_space<vmem>>) semaphore(%arg39 : memref<!tpu.dma_semaphore, #tpu.memory_space<semaphore_mem>>) {add = true}
      %dma_start3A_72 = arith.constant 0 : i32
      %dma_start3A_73 = tpu.memref_slice %arg37[%dma_start3A_72] : memref<100096xf32, #tpu.memory_space<vmem_shared>> -> memref<100096xf32, #tpu.memory_space<vmem_shared>>
      tpu.enqueue_indirect_dma source(%arg24 : memref<1600xf32, #tpu.memory_space<vmem>>) target(%dma_start3A_73 : memref<100096xf32, #tpu.memory_space<vmem_shared>>) offsets(%arg13 : memref<1600xi32, #tpu.memory_space<vmem>>) semaphore(%arg39 : memref<!tpu.dma_semaphore, #tpu.memory_space<semaphore_mem>>) {add = true}
      %dma_start3A_74 = arith.constant 0 : i32
      %dma_start3A_75 = tpu.memref_slice %arg35[%dma_start3A_74] : memref<100096xf32, #tpu.memory_space<vmem_shared>> -> memref<100096xf32, #tpu.memory_space<vmem_shared>>
      tpu.enqueue_indirect_dma source(%arg25 : memref<1600xf32, #tpu.memory_space<vmem>>) target(%dma_start3A_75 : memref<100096xf32, #tpu.memory_space<vmem_shared>>) offsets(%arg14 : memref<1600xi32, #tpu.memory_space<vmem>>) semaphore(%arg39 : memref<!tpu.dma_semaphore, #tpu.memory_space<semaphore_mem>>) {add = true}
      %dma_start3A_76 = arith.constant 0 : i32
      %dma_start3A_77 = tpu.memref_slice %arg36[%dma_start3A_76] : memref<100096xf32, #tpu.memory_space<vmem_shared>> -> memref<100096xf32, #tpu.memory_space<vmem_shared>>
      tpu.enqueue_indirect_dma source(%arg26 : memref<1600xf32, #tpu.memory_space<vmem>>) target(%dma_start3A_77 : memref<100096xf32, #tpu.memory_space<vmem_shared>>) offsets(%arg14 : memref<1600xi32, #tpu.memory_space<vmem>>) semaphore(%arg39 : memref<!tpu.dma_semaphore, #tpu.memory_space<semaphore_mem>>) {add = true}
      %dma_start3A_78 = arith.constant 0 : i32
      %dma_start3A_79 = tpu.memref_slice %arg37[%dma_start3A_78] : memref<100096xf32, #tpu.memory_space<vmem_shared>> -> memref<100096xf32, #tpu.memory_space<vmem_shared>>
      tpu.enqueue_indirect_dma source(%arg27 : memref<1600xf32, #tpu.memory_space<vmem>>) target(%dma_start3A_79 : memref<100096xf32, #tpu.memory_space<vmem_shared>>) offsets(%arg14 : memref<1600xi32, #tpu.memory_space<vmem>>) semaphore(%arg39 : memref<!tpu.dma_semaphore, #tpu.memory_space<semaphore_mem>>) {add = true}
      %dma_wait3A_80 = arith.constant 0 : i32
      %dma_wait3A_81 = tpu.memref_slice %arg35[%dma_wait3A_80] : memref<100096xf32, #tpu.memory_space<vmem_shared>> -> memref<100096xf32, #tpu.memory_space<vmem_shared>>
      tpu.wait_indirect_dma semaphore(%arg39 : memref<!tpu.dma_semaphore, #tpu.memory_space<semaphore_mem>>) src(%arg22 : memref<1600xf32, #tpu.memory_space<vmem>>) dst(%dma_wait3A_81 : memref<100096xf32, #tpu.memory_space<vmem_shared>>)
      %dma_wait3A_82 = arith.constant 0 : i32
      %dma_wait3A_83 = tpu.memref_slice %arg36[%dma_wait3A_82] : memref<100096xf32, #tpu.memory_space<vmem_shared>> -> memref<100096xf32, #tpu.memory_space<vmem_shared>>
      tpu.wait_indirect_dma semaphore(%arg39 : memref<!tpu.dma_semaphore, #tpu.memory_space<semaphore_mem>>) src(%arg23 : memref<1600xf32, #tpu.memory_space<vmem>>) dst(%dma_wait3A_83 : memref<100096xf32, #tpu.memory_space<vmem_shared>>)
      %dma_wait3A_84 = arith.constant 0 : i32
      %dma_wait3A_85 = tpu.memref_slice %arg37[%dma_wait3A_84] : memref<100096xf32, #tpu.memory_space<vmem_shared>> -> memref<100096xf32, #tpu.memory_space<vmem_shared>>
      tpu.wait_indirect_dma semaphore(%arg39 : memref<!tpu.dma_semaphore, #tpu.memory_space<semaphore_mem>>) src(%arg24 : memref<1600xf32, #tpu.memory_space<vmem>>) dst(%dma_wait3A_85 : memref<100096xf32, #tpu.memory_space<vmem_shared>>)
      %dma_wait3A_86 = arith.constant 0 : i32
      %dma_wait3A_87 = tpu.memref_slice %arg35[%dma_wait3A_86] : memref<100096xf32, #tpu.memory_space<vmem_shared>> -> memref<100096xf32, #tpu.memory_space<vmem_shared>>
      tpu.wait_indirect_dma semaphore(%arg39 : memref<!tpu.dma_semaphore, #tpu.memory_space<semaphore_mem>>) src(%arg25 : memref<1600xf32, #tpu.memory_space<vmem>>) dst(%dma_wait3A_87 : memref<100096xf32, #tpu.memory_space<vmem_shared>>)
      %dma_wait3A_88 = arith.constant 0 : i32
      %dma_wait3A_89 = tpu.memref_slice %arg36[%dma_wait3A_88] : memref<100096xf32, #tpu.memory_space<vmem_shared>> -> memref<100096xf32, #tpu.memory_space<vmem_shared>>
      tpu.wait_indirect_dma semaphore(%arg39 : memref<!tpu.dma_semaphore, #tpu.memory_space<semaphore_mem>>) src(%arg26 : memref<1600xf32, #tpu.memory_space<vmem>>) dst(%dma_wait3A_89 : memref<100096xf32, #tpu.memory_space<vmem_shared>>)
      %dma_wait3A_90 = arith.constant 0 : i32
      %dma_wait3A_91 = tpu.memref_slice %arg37[%dma_wait3A_90] : memref<100096xf32, #tpu.memory_space<vmem_shared>> -> memref<100096xf32, #tpu.memory_space<vmem_shared>>
      tpu.wait_indirect_dma semaphore(%arg39 : memref<!tpu.dma_semaphore, #tpu.memory_space<semaphore_mem>>) src(%arg27 : memref<1600xf32, #tpu.memory_space<vmem>>) dst(%dma_wait3A_91 : memref<100096xf32, #tpu.memory_space<vmem_shared>>)
      scf.yield %scan3A_66 : vector<16xf32>
    }
    %scan3A_13 = arith.constant 125 : i32
    %barrier3A_14 = arith.constant 0 : index
    tpu.barrier barrier_id(%barrier3A_14)
    %mul3A_15 = arith.constant 3 : i32
    %mul3A_16 = arith.muli %arg0, %mul3A_15 : i32
    %mul3A_17 = arith.constant 100096 : i32
    %mul3A_18 = arith.muli %mul3A_16, %mul3A_17 : i32
    %mul3A_19 = arith.constant 6256 : i32
    %mul3A_20 = arith.muli %arg1, %mul3A_19 : i32
    %add3A_21 = arith.addi %mul3A_18, %mul3A_20 : i32
    "tpu.region"() ({
      %run_scoped3A = tpu.sem_alloc : memref<!tpu.dma_semaphore, #tpu.memory_space<semaphore_mem>>
      %dma_start3A = tpu.memref_slice %arg11[%add3A_21] : memref<600576xf32, #tpu.memory_space<hbm>> -> memref<6256xf32, #tpu.memory_space<hbm>>
      %dma_start3A_33 = tpu.memref_slice %arg35[%mul3A_7] : memref<100096xf32, #tpu.memory_space<vmem_shared>> -> memref<6256xf32, #tpu.memory_space<vmem_shared>>
      tpu.enqueue_dma source(%dma_start3A_33 : memref<6256xf32, #tpu.memory_space<vmem_shared>>) target(%dma_start3A : memref<6256xf32, #tpu.memory_space<hbm>>) target_semaphore(%run_scoped3A : memref<!tpu.dma_semaphore, #tpu.memory_space<semaphore_mem>>)
      %dma_wait3A = tpu.memref_slice %arg11[%add3A_21] : memref<600576xf32, #tpu.memory_space<hbm>> -> memref<6256xf32, #tpu.memory_space<hbm>>
      %dma_wait3A_34 = tpu.memref_slice %arg35[%mul3A_7] : memref<100096xf32, #tpu.memory_space<vmem_shared>> -> memref<6256xf32, #tpu.memory_space<vmem_shared>>
      tpu.wait_dma2 semaphore(%run_scoped3A : memref<!tpu.dma_semaphore, #tpu.memory_space<semaphore_mem>>) src(%dma_wait3A_34 : memref<6256xf32, #tpu.memory_space<vmem_shared>>) dst(%dma_wait3A : memref<6256xf32, #tpu.memory_space<hbm>>)
      tpu.yield
    }) : () -> ()
    %add3A_22 = arith.constant 100096 : i32
    %add3A_23 = arith.addi %add3A_21, %add3A_22 : i32
    "tpu.region"() ({
      %run_scoped3A = tpu.sem_alloc : memref<!tpu.dma_semaphore, #tpu.memory_space<semaphore_mem>>
      %dma_start3A = tpu.memref_slice %arg11[%add3A_23] : memref<600576xf32, #tpu.memory_space<hbm>> -> memref<6256xf32, #tpu.memory_space<hbm>>
      %dma_start3A_33 = tpu.memref_slice %arg36[%mul3A_7] : memref<100096xf32, #tpu.memory_space<vmem_shared>> -> memref<6256xf32, #tpu.memory_space<vmem_shared>>
      tpu.enqueue_dma source(%dma_start3A_33 : memref<6256xf32, #tpu.memory_space<vmem_shared>>) target(%dma_start3A : memref<6256xf32, #tpu.memory_space<hbm>>) target_semaphore(%run_scoped3A : memref<!tpu.dma_semaphore, #tpu.memory_space<semaphore_mem>>)
      %dma_wait3A = tpu.memref_slice %arg11[%add3A_23] : memref<600576xf32, #tpu.memory_space<hbm>> -> memref<6256xf32, #tpu.memory_space<hbm>>
      %dma_wait3A_34 = tpu.memref_slice %arg36[%mul3A_7] : memref<100096xf32, #tpu.memory_space<vmem_shared>> -> memref<6256xf32, #tpu.memory_space<vmem_shared>>
      tpu.wait_dma2 semaphore(%run_scoped3A : memref<!tpu.dma_semaphore, #tpu.memory_space<semaphore_mem>>) src(%dma_wait3A_34 : memref<6256xf32, #tpu.memory_space<vmem_shared>>) dst(%dma_wait3A : memref<6256xf32, #tpu.memory_space<hbm>>)
      tpu.yield
    }) : () -> ()
    %add3A_24 = arith.constant 200192 : i32
    %add3A_25 = arith.addi %add3A_21, %add3A_24 : i32
    "tpu.region"() ({
      %run_scoped3A = tpu.sem_alloc : memref<!tpu.dma_semaphore, #tpu.memory_space<semaphore_mem>>
      %dma_start3A = tpu.memref_slice %arg11[%add3A_25] : memref<600576xf32, #tpu.memory_space<hbm>> -> memref<6256xf32, #tpu.memory_space<hbm>>
      %dma_start3A_33 = tpu.memref_slice %arg37[%mul3A_7] : memref<100096xf32, #tpu.memory_space<vmem_shared>> -> memref<6256xf32, #tpu.memory_space<vmem_shared>>
      tpu.enqueue_dma source(%dma_start3A_33 : memref<6256xf32, #tpu.memory_space<vmem_shared>>) target(%dma_start3A : memref<6256xf32, #tpu.memory_space<hbm>>) target_semaphore(%run_scoped3A : memref<!tpu.dma_semaphore, #tpu.memory_space<semaphore_mem>>)
      %dma_wait3A = tpu.memref_slice %arg11[%add3A_25] : memref<600576xf32, #tpu.memory_space<hbm>> -> memref<6256xf32, #tpu.memory_space<hbm>>
      %dma_wait3A_34 = tpu.memref_slice %arg37[%mul3A_7] : memref<100096xf32, #tpu.memory_space<vmem_shared>> -> memref<6256xf32, #tpu.memory_space<vmem_shared>>
      tpu.wait_dma2 semaphore(%run_scoped3A : memref<!tpu.dma_semaphore, #tpu.memory_space<semaphore_mem>>) src(%dma_wait3A_34 : memref<6256xf32, #tpu.memory_space<vmem_shared>>) dst(%dma_wait3A : memref<6256xf32, #tpu.memory_space<hbm>>)
      tpu.yield
    }) : () -> ()
    %swap3A_26 = arith.constant 0 : index
    %swap3A_27 = tpu.vector_load %arg31[%swap3A_26] {strides = array<i32>} : memref<16xf32, #tpu.memory_space<vmem>>, vector<16xf32>,
    tpu.vector_store %arg31[%swap3A_26], %scan3A_12 {strides = array<i32>} : memref<16xf32, #tpu.memory_space<vmem>>, vector<16xf32>,
    %mul3A_28 = arith.constant 16 : i32
    %mul3A_29 = arith.muli %arg0, %mul3A_28 : i32
    %add3A_30 = arith.addi %mul3A_29, %arg1 : i32
    %mul3A_31 = arith.constant 16 : i32
    %mul3A_32 = arith.muli %add3A_30, %mul3A_31 : i32
    "tpu.region"() ({
      %run_scoped3A = tpu.sem_alloc : memref<!tpu.dma_semaphore, #tpu.memory_space<semaphore_mem>>
      %dma_start3A = tpu.memref_slice %arg12[%mul3A_32] : memref<512xf32, #tpu.memory_space<hbm>> -> memref<16xf32, #tpu.memory_space<hbm>>
      %dma_start3A_33 = tpu.memref_slice %arg12[%mul3A_32] : memref<512xf32, #tpu.memory_space<hbm>> -> memref<16xf32, #tpu.memory_space<hbm>>
      tpu.enqueue_dma source(%arg31 : memref<16xf32, #tpu.memory_space<vmem>>) target(%dma_start3A_33 : memref<16xf32, #tpu.memory_space<hbm>>) target_semaphore(%run_scoped3A : memref<!tpu.dma_semaphore, #tpu.memory_space<semaphore_mem>>)
      %dma_wait3A = tpu.memref_slice %arg12[%mul3A_32] : memref<512xf32, #tpu.memory_space<hbm>> -> memref<16xf32, #tpu.memory_space<hbm>>
      %dma_wait3A_34 = tpu.memref_slice %arg12[%mul3A_32] : memref<512xf32, #tpu.memory_space<hbm>> -> memref<16xf32, #tpu.memory_space<hbm>>
      tpu.wait_dma2 semaphore(%run_scoped3A : memref<!tpu.dma_semaphore, #tpu.memory_space<semaphore_mem>>) src(%arg31 : memref<16xf32, #tpu.memory_space<vmem>>) dst(%dma_wait3A_34 : memref<16xf32, #tpu.memory_space<hbm>>)
      tpu.yield
    }) : () -> ()
    return
  }
}

</mosaic_0001>

<sc_bundles>
// kernel: kernel.3.cloned.1.call-start
scs
__scs_entry_jumppad:
0x0: {  	(pc) =	sbr.rel $0x88, $3  }
0x1: {  	(tag) =	ssettag $0x0;
	lr =	simm.s32 $0x1  }
0x2: {  	[smem:$0x3F9C] =	sst lr;
	_ =	strace $0xD0000000  }
0x3: {  	_ = 	snop  }
0x4: {  	_ = 	snop  }
0x5: {  	_ = 	snop  }
0x6: {  	_ = 	snop  }
0x7: {  	_ = 	snop  }
__scs_overlays_trampoline_lowered:
0x8: {  	[smem:$0x3FAB] =	sst s0  }
0x9: {  	[smem:$0x3FAC] =	sst s1  }
0xa: {  	[smem:$0x3FAD] =	sst s2  }
0xb: {  	[smem:$0x3FAE] =	sst s3  }
0xc: {  	[smem:$0x3FAF] =	sst s4  }
0xd: {  	[smem:$0x3FB0] =	sst s5  }
0xe: {  	[smem:$0x3FB1] =	sst s6  }
0xf: {  	[smem:$0x3FB2] =	sst s7  }
0x10: {  	[smem:$0x3FB3] =	sst s8  }
0x11: {  	[smem:$0x3FB4] =	sst s9;
	s0 =	simm.s32 @!p0 $0x0  }
0x12: {  	s1 =	sld [smem:$0x3F9A];
	s0 =	simm.s32 @p0 $0x1  }
0x13: {  	[smem:$0x3FB5] =	sst s0;
	s0 =	simm.s32 @!p1 $0x0  }
0x14: {  	s2 =	sld [smem:$0x3F99];
	s0 =	simm.s32 @p1 $0x1  }
0x15: {  	[smem:$0x3FB6] =	sst s0;
	s0 =	simm.s32 @!p2 $0x0  }
0x16: {  	s3 =	sld [smem:$0x3FDB];
	s0 =	simm.s32 @p2 $0x1  }
0x17: {  	s4 =	simm.s32 $0x1BF5;
	[smem:$0x3FB8] =	sst s0  }
0x18: {  	s0 =	sld [smem:$0x3F9B];
	_ =	swait.ge [sflag:s4], $0x0  }
0x19: {  	s7 =	sld [smem:$0x3F9C]  }
0x1a: {  	s8 =	sadd.s32 $0xFFFFE003, lr  }
0x1b: {  	s9 =	sadd.s32 $0xFFFFFEF7, lr;
	s5 =	simm.s32 $0xFFFFFFFF;
	p2 =	slt.u32 s8, $0xFFFFF086  }
0x1c: {  	p1 =	slt.u32 s9, $0xF7A;
	s5 =	simm.s32 @!p2 $0x0  }
0x1d: {  	s5 =	simm.s32 @p1 $0x1;
	p0 =	seq.s32 s7, s2  }
0x1e: {  	s7 =	smul.u32 @!p0 $0xF7A, s2;
	p2 =	seq.s32 @!p0 s5, $0x0  }
0x1f: {  	s9 =	smul.u32 $0xF7A, s1;
	s8 =	simm.s32 @!p0 $0x1BF5;
	p2 =	por !p2, p0  }
0x20: {  	[sflag:s8] =	ssyncset.s32 @!p0 $0xFFFFF086;
	s6 =	sadd.s32 @!p0 s3, s7;
	s7 =	simm.s32 @!p0 $0x108  }
0x21: {  	s3 =	sadd.s32 s3, s9;
	s6 =	sadd.s32 @!p0 $0x88, s6;
	s7 =	simm.s32 @p2 $0x1082  }
0x22: {  	[simem:s7], [sflag:s8] =	dma.local @!p0 [hbm:s6], $0xF7A  }
0x23: {  	s9 =	sor.u32 $0xD0000000, s2;
	s6 =	simm.s32 $0x108;
	_ =	swait.ge @!p0 [sflag:s8], $0x0  }
0x24: {  	s3 =	sadd.s32 $0x88, s3;
	s6 =	simm.s32 @!p1 $0x1082;
	[sflag:s4] =	ssyncset.s32 $0xFFFFF086  }
0x25: {  	[simem:s6], [sflag:s4] =	dma.local [hbm:s3], $0xF7A  }
0x26: {  	[smem:$0x3F9C] =	sst s1;
	(tag) =	ssettag s2;
	_ =	strace s9  }
0x27: {  	s1 =	sld [smem:$0x3FAC]  }
0x28: {  	s2 =	sld [smem:$0x3FAD]  }
0x29: {  	s4 =	sld [smem:$0x3FAF]  }
0x2a: {  	p0 =	seq.s32 s5, $0x0;
	s5 =	sld [smem:$0x3FB0]  }
0x2b: {  	s6 =	sld [smem:$0x3FB1]  }
0x2c: {  	s7 =	sld [smem:$0x3FB2]  }
0x2d: {  	s3 =	simm.s32 $0x108;
	s8 =	sld [smem:$0x3FB3]  }
0x2e: {  	s3 =	simm.s32 @!p0 $0x1082;
	s9 =	sld [smem:$0x3FB4]  }
0x2f: {  	lr =	sadd.s32 s0, s3;
	s0 =	sld [smem:$0x3FAB]  }
0x30: {  	s3 =	sld [smem:$0x3FAE]  }
0x31: {  	[smem:$0x3FB7] =	sst s10  }
0x32: {  	s10 =	sld [smem:$0x3FB5];
	_ =	sdelay $0x3  }
0x33: {  	p0 =	seq.s32 s10, $0x1;
	s10 =	sld [smem:$0x3FB7];
	_ =	sdelay $0x3  }
0x34: {  	[smem:$0x3FB7] =	sst s10  }
0x35: {  	s10 =	sld [smem:$0x3FB6];
	_ =	sdelay $0x3  }
0x36: {  	p1 =	seq.s32 s10, $0x1;
	s10 =	sld [smem:$0x3FB7];
	_ =	sdelay $0x3  }
0x37: {  	[smem:$0x3FB7] =	sst s10  }
0x38: {  	s10 =	sld [smem:$0x3FB8]  }
0x39: {  	_ = 	snop;
	(pc) =	sbr.ind lr, $3  }
0x3a: {  	_ = 	snop  }
0x3b: {  	_ = 	snop  }
0x3c: {  	p2 =	seq.s32 s10, $0x1;
	s10 =	sld [smem:$0x3FB7]  }
0x3d: {  	_ =	shalt  }
0x3e: {  	_ =	shalt  }
0x3f: {  	_ =	shalt  }
0x40: {  	_ =	shalt  }
0x41: {  	_ =	shalt  }
0x42: {  	_ =	shalt  }
0x43: {  	_ =	shalt  }
0x44: {  	_ =	shalt  }
0x45: {  	_ =	shalt  }
0x46: {  	_ =	shalt  }
0x47: {  	_ =	shalt  }
0x48: {  	_ =	shalt  }
0x49: {  	_ =	shalt  }
0x4a: {  	_ =	shalt  }
0x4b: {  	_ =	shalt  }
0x4c: {  	_ =	shalt  }
0x4d: {  	_ =	shalt  }
0x4e: {  	_ =	shalt  }
0x4f: {  	_ =	shalt  }
0x50: {  	_ =	shalt  }
0x51: {  	_ =	shalt  }
0x52: {  	_ =	shalt  }
0x53: {  	_ =	shalt  }
0x54: {  	_ =	shalt  }
0x55: {  	_ =	shalt  }
0x56: {  	_ =	shalt  }
0x57: {  	_ =	shalt  }
0x58: {  	_ =	shalt  }
0x59: {  	_ =	shalt  }
0x5a: {  	_ =	shalt  }
0x5b: {  	_ =	shalt  }
0x5c: {  	_ =	shalt  }
0x5d: {  	_ =	shalt  }
0x5e: {  	_ =	shalt  }
0x5f: {  	_ =	shalt  }
0x60: {  	_ =	shalt  }
0x61: {  	_ =	shalt  }
0x62: {  	_ =	shalt  }
0x63: {  	_ =	shalt  }
0x64: {  	_ =	shalt  }
0x65: {  	_ =	shalt  }
0x66: {  	_ =	shalt  }
0x67: {  	_ =	shalt  }
0x68: {  	_ =	shalt  }
0x69: {  	_ =	shalt  }
0x6a: {  	_ =	shalt  }
0x6b: {  	_ =	shalt  }
0x6c: {  	_ =	shalt  }
0x6d: {  	_ =	shalt  }
0x6e: {  	_ =	shalt  }
0x6f: {  	_ =	shalt  }
0x70: {  	_ =	shalt  }
0x71: {  	_ =	shalt  }
0x72: {  	_ =	shalt  }
0x73: {  	_ =	shalt  }
0x74: {  	_ =	shalt  }
0x75: {  	_ =	shalt  }
0x76: {  	_ =	shalt  }
0x77: {  	_ =	shalt  }
0x78: {  	_ =	shalt  }
0x79: {  	_ =	shalt  }
0x7a: {  	_ =	shalt  }
0x7b: {  	_ =	shalt  }
0x7c: {  	_ =	shalt  }
0x7d: {  	_ =	shalt  }
0x7e: {  	_ =	shalt  }
0x7f: {  	_ =	shalt  }
0x80: {  	_ =	shalt  }
0x81: {  	_ =	shalt  }
0x82: {  	_ =	shalt  }
0x83: {  	_ =	shalt  }
0x84: {  	_ =	shalt  }
0x85: {  	_ =	shalt  }
0x86: {  	_ =	shalt  }
0x87: {  	_ =	shalt  }
.Lfunc_end0:
.L_simem_size_0:
called_computation_lowered:
.L_overlay_start_0:
0x88: {  	s2 =	sld [smem:$0x3FD9]  }
0x89: {  	s3 =	sld [smem:$0x3FFE];
	_ =	sdelay $0x1  }
0x8a: {  	s1 =	srdreg.scid  }
0x8b: {  	s0 =	sand.u32 $0x1, s1  }
0x8c: {  	s14 =	sshll.u32 s0, $0xA;
	s2 =	sadd.s32 s3, s2  }
0x8d: {  	s2 =	sadd.s32 s2, s14  }
0x8e: {  	[smem:$0x3FC3] =	sst s2  }
0x8f: {  	_ = 	snop  }
0x90: {  	s2 =	sld [smem:$0x3FD0];
	_ =	sdelay $0x2  }
0x91: {  	s4 =	simm.s32 $0xA;
	s5 =	simm.s32 $0x10;
	s15 =	sld [smem:$0x3FC7]  }
0x92: {  	[smem:s5], [sflag:s4] =	dma.local [hbm:s2], $0x1  }
0x93: {  	_ =	swait.eq [sflag:s4], $0x1  }
0x94: {  	[sflag:s4] =	ssyncset.done $0x0  }
0x95: {  	s16 =	sld [smem:$0x10];
	[sflag:s4] =	ssyncadd.s32 $0xFFFFFFFF  }
0x96: {  	s17 =	sld [smem:$0x11];
	(tm) =	ssettm $0x1  }
0x97: {  	s18 =	sld [smem:$0x3FFB];
	_ =	sdelay $0x3  }
0x98: {  	_ =	strace s18  }
0x99: {  	s5 =	sld [smem:$0x3FFC];
	_ =	sdelay $0x3  }
0x9a: {  	_ =	strace s5  }
0x9b: {  	s5 =	sld [smem:$0x3FFD];
	_ =	sdelay $0x3  }
0x9c: {  	_ =	strace s5  }
0x9d: {  	_ =	strace $0x8FFFFFFF  }
0x9e: {  	s19 =	sld [smem:$0x3FDB];
	_ =	sdelay $0x1  }
0x9f: {  	s6 =	simm.s32 $_scs_section_size  }
0xa0: {  	s7 =	simm.s32 $_size__tile_overlayer_lowered;
	s8 =	simm.s32 $_tile_overlayer_lowered  }
0xa1: {  	s22 =	simm.s32 $0x1BFF;
	s21 =	sshll.u32 s8, $0x1;
	s5 =	sadd.s32 s6, s19  }
0xa2: {  	s9 =	simm.s32 $0x0;
	s20 =	sshll.u32 s7, $0x1;
	s7 =	sadd.s32 s21, s5  }
0xa3: {  	[timem:s9], [sflag:s22] =	dma.local [hbm:s7], s20  }
0xa4: {  	_ =	swait.ge [sflag:s22], s20  }
0xa5: {  	s6 =	ssub.s32 $0x0, s20;
	[sflag:s22] =	ssyncset.done $0x0  }
0xa6: {  	[sflag:s22] =	ssyncadd.s32 s6;
	_ =	sdelay $0x1  }
0xa7: {  	s23 =	simm.s32 $0x1B8B  }
0xa8: {  	_ =	swait.ge [sflag:s23], $0x1  }
0xa9: {  	[sflag:s23] =	ssyncset.done $0x0  }
0xaa: {  	s25 =	simm.s32 $0x1B8E;
	s24 =	sld [smem:$0x3FFE];
	[sflag:s23] =	ssyncadd.s32 $0xFFFFFFFF  }
0xab: {  	s26 =	simm.s32 $execute0_lowered;
	[smem:$0x3FD2] =	sst s25  }
0xac: {  	s7 =	sshll.u32 s26, $0x1;
	_ =	strace $0x80000046;
	[dreg:$0x1] =	wrdreg $0xFFFFFFFF  }
0xad: {  	s28 =	simm.s32 $_size_execute0_lowered;
	s5 =	sadd.s32 s5, s7;
	[dreg:$0x0] =	wrdreg $0x0  }
0xae: {  	s7 =	sshll.u32 s28, $0x1;
	[dreg:$0x2] =	wrdreg s5  }
0xaf: {  	[dreg:$0x3] =	wrdreg s7  }
0xb0: {  	[dreg:$0x4] =	wrdreg $0xC0  }
0xb1: {  	_ =	task [dreg:s9], $0x5FFFF  }
0xb2: {  	[dreg:$0x1] =	wrdreg $0xFFFFFFFF  }
0xb3: {  	[dreg:$0x0] =	wrdreg $0x60  }
0xb4: {  	[dreg:$0x2] =	wrdreg s24  }
0xb5: {  	[dreg:$0x3] =	wrdreg s16  }
0xb6: {  	[dreg:$0x4] =	wrdreg s15  }
0xb7: {  	[dreg:$0x5] =	wrdreg s17  }
0xb8: {  	[dreg:$0x6] =	wrdreg $0x5E000  }
0xb9: {  	[dreg:$0x7] =	wrdreg $0x76700  }
0xba: {  	[dreg:$0x8] =	wrdreg $0x8EE00  }
0xbb: {  	[dreg:$0x9] =	wrdreg $0xA7500  }
0xbc: {  	[dreg:$0xa] =	wrdreg $0xBFC00  }
0xbd: {  	[dreg:$0xb] =	wrdreg $0xD8300  }
0xbe: {  	[dreg:$0xc] =	wrdreg $0x9  }
0xbf: {  	_ =	task.clear_ibuf [dreg:s9], $0xDFFFF;
	_ =	strace $0x90000046  }
0xc0: {  	s29 =	simm.s32 $0x9;
	_ =	strace $0x80000048  }
0xc1: {  	_ =	swait.ge [sflag:s29], $0x1  }
0xc2: {  	[sflag:s29] =	ssyncadd.s32 $0xFFFFFFFF  }
0xc3: {  	_ =	strace $0x90000048  }
0xc4: {  	_ =	sfence  }
0xc5: {  	s30 =	sld [smem:$0x0];
	_ =	sdelay $0x2  }
0xc6: {  	s31 =	sshll.u32 s1, $0xD;
	s1 =	sshrl.u32 s1, $0x2  }
0xc7: {  	s3 =	sand.u32 $0x4000, s31;
	s1 =	sadd.s32 s1, s30  }
0xc8: {  	s0 =	sor.u32 s3, s0;
	s1 =	sshll.u32 s1, $0x11  }
0xc9: {  	s0 =	sor.u32 s1, s0  }
0xca: {  	s0 =	sadd.s32 $0x8F2B, s0  }
0xcb: {  	[sflag:s0] =	ssyncadd.remote.s32 $0x1  }
0xcc: {  	_ =	sfence.sel $0xFFFF  }
0xcd: {  	[dreg:$0x0] =	wrdreg $0xFFFFFFFF;
	(pc) =	sbr.abs _section_cstart, $3  }
0xce: {  	[dreg:$0x1] =	wrdreg $0xFFFFFFFF  }
0xcf: {  	_ =	task.clear_ibuf [dreg:s9], $0x2FFFF;
	_ =	strace $0x9FFFFFFF  }
0xd0: {  	(tm) =	ssettm $0x7FFFFFFF  }
0xd1: {  	_ =	shalt  }
tec
execute0_lowered:
.L_overlay_start_1:
0x0: {  	(tag) =	ssettag $0x1  }
0x1: {  	s19 =	rddreg [dreg:$0x0]  }
0x2: {  	s0 =	rddreg [dreg:$0x1]  }
0x3: {  	s3 =	rddreg [dreg:$0x4]  }
0x4: {  	s5 =	rddreg [dreg:$0x5]  }
0x5: {  	s6 =	rddreg [dreg:$0x6]  }
0x6: {  	s7 =	rddreg [dreg:$0x7]  }
0x7: {  	s9 =	rddreg [dreg:$0x8];
	s14 =	stileid.u32  }
0x8: {  	s1 =	srdreg.scid;
	s10 =	rddreg [dreg:$0x9]  }
0x9: {  	s11 =	simm.s32 $0x0;
	s2 =	smul.u32 $0x1870, s14;
	s1 =	sand.u32 $0x1, s1  }
0xa: {  	[smem:$0x7FF] =	sst s11;
	s14 =	sshll.u32 s14, $0x1;
	s28 =	sadd.s32 $0xC9C00, s19  }
0xb: {  	s29 =	sadd.s32 $0x6600, s19;
	s4 =	smul.u32 $0x49500, s1;
	_ =	strace $0x80000047  }
0xc: {  	s13 =	ssub.s32 $0x2, s1;
	s16 =	sadd.s32 s14, s19;
	s14 =	sor.u32 s1, s14  }
0xd: {  	s8 =	sshrl.u32 s2, $0x3;
	s15 =	sshrl.u32 s13, $0x1;
	s26 =	sadd.s32 s2, s3  }
0xe: {  	s18 =	sadd.s32 s2, s5;
	s30 =	sadd.s32 s2, s7;
	s31 =	sadd.s32 s2, s9  }
0xf: {  	s21 =	sadd.s32 s2, s10;
	s4 =	sadd.s32 s2, s4;
	[dreg:$0xe] =	wrdreg s30  }
0x10: {  	s12 =	sadd.s32 s8, s19;
	s13 =	ssub.s32 s13, s15;
	[dreg:$0xf] =	wrdreg s31  }
0x11: {  	s0 =	sadd.s32 s0, s8;
	s8 =	sshll.u32 s1, $0x5;
	[dreg:$0x11] =	wrdreg s21  }
0x12: {  	s25 =	sshrl.u32 s26, $0x3;
	s26 =	sshrl.u32 s18, $0x3;
	s31 =	sadd.s32 $0x18D200, s19  }
0x13: {  	s15 =	simm.s32 $0x3200;
	s18 =	simm.s32 $0x5DE0;
	[dreg:$0xd] =	wrdreg s0  }
0x14: {  	s21 =	simm.s32 $0x44C0;
	s4 =	sshrl.u32 s4, $0x3;
	[dreg:$0x16] =	wrdreg s25  }
0x15: {  	s17 =	sadd.s32 $0x3400, s12;
	s12 =	sadd.s32 $0x200, s12;
	[dreg:$0x17] =	wrdreg s26  }
0x16: {  	s0 =	sadd.s32 s8, s16;
	s24 =	smax.u32 s13, $0x1;
	[dreg:$0x19] =	wrdreg s31  }
0x17: {  	s8 =	simm.s32 $0x3;
	s13 =	simm.s32 $0x2580;
	s16 =	simm.s32 $0x1  }
0x18: {  	s25 =	simm.s32 $0x2;
	s4 =	sadd.s32 s4, s19;
	[dreg:$0xb] =	wrdreg s17  }
0x19: {  	[dreg:$0xc] =	wrdreg s12;
	s12 =	sadd.s32 s2, s6;
	s17 =	smul.u32 $0x30D40, s14  }
0x1a: {  	s0 =	sadd.s32 $0x18D600, s0;
	[dreg:$0x15] =	wrdreg s24;
	s14 =	simm.s32 $0x2BC0  }
0x1b: {  	s19 =	simm.s32 $0x3840;
	s20 =	sadd.s32 $0x18D800, s4;
	[dreg:$0x14] =	wrdreg s0  }
0x1c: {  	s24 =	simm.s32 $0x5780;
	s22 =	sadd.s32 $0x1908E0, s4;
	[dreg:$0x10] =	wrdreg s20  }
0x1d: {  	s2 =	simm.s32 $0x0;
	s23 =	sadd.s32 $0x1939C0, s4;
	[dreg:$0x12] =	wrdreg s22  }
0x1e: {  	s30 =	sshrl.u32 s12, $0x3;
	s4 =	simm.s32 $0x640;
	[dreg:$0x13] =	wrdreg s23  }
0x1f: {  	s0 =	simm.s32 $0x1900;
	s12 =	simm.s32 $0x1F40;
	[dreg:$0x18] =	wrdreg s30  }
0x20: {  	s20 =	simm.s32 $0x3E80;
	s22 =	simm.s32 $0x4B00;
	s23 =	simm.s32 $0x5140  }
.LBB2_1:
0x21: {  	[dreg:$0x1a] =	wrdreg s2  }
0x22: {  	s1 =	rddreg [dreg:$0x3];
	s26 =	simm.s32 $0x5DC0  }
0x23: {  	[tilespmem:s26], [sflag:$0x3] =	stream.linear.gather [hbm4b:s1+s11], $0x10, $0x38;
	[tilespmem:$0xF0A0] =	vst v63  }
0x24: {  	_ =	swait.ge [sflag:s8], $0x10  }
0x25: {  	[sflag:s8] =	ssyncset.done $0x0  }
0x26: {  	[sflag:s8] =	ssyncadd.s32 $0xFFFFFFF0  }
0x27: {  	s31 =	simm.s32 $0x5DD0;
	s30 =	rddreg [dreg:$0x0]  }
0x28: {  	[tilespmem:s31], [sflag:$0x3] =	stream.linear.gather [hbm4b:s30+s11], $0x10, $0x38;
	[tilespmem:$0xF0A0] =	vst v63  }
0x29: {  	_ =	swait.ge [sflag:s8], $0x10  }
0x2a: {  	[sflag:s8] =	ssyncset.done $0x0  }
0x2b: {  	[sflag:s8] =	ssyncadd.s32 $0xFFFFFFF0  }
0x2c: {  	v0 =	vld [tilespmem:$0x5DC0]  }
0x2d: {  	v1 =	vld [tilespmem:$0x5DD0];
	_ =	sdelay $0x4  }
0x2e: {  	s26 =	stileid.u32;
	v0 =	vadd.f32 v1, v0  }
0x2f: {  	s1 =	sshll.u32 s26, $0x6;
	s30 =	rddreg [dreg:$0xb]  }
0x30: {  	s26 =	sor.u32 $0x1C03, s1;
	s31 =	rddreg [dreg:$0x16];
	[tilespmem:$0x5DE0] =	vst v0  }
0x31: {  	[spmem:s31], [sflag:s26] =	dma.local [hbm:s30], $0x30E  }
0x32: {  	_ =	swait.ge [sflag:s8], $0x30E  }
0x33: {  	[sflag:s8] =	ssyncset.done $0x0;
	s30 =	rddreg [dreg:$0xc]  }
0x34: {  	s31 =	rddreg [dreg:$0x17];
	[sflag:s8] =	ssyncadd.s32 $0xFFFFFCF2  }
0x35: {  	[spmem:s31], [sflag:s26] =	dma.local [hbm:s30], $0x30E  }
0x36: {  	_ =	swait.ge [sflag:s8], $0x30E  }
0x37: {  	[sflag:s8] =	ssyncset.done $0x0;
	s30 =	rddreg [dreg:$0xd]  }
0x38: {  	s31 =	rddreg [dreg:$0x18];
	[sflag:s8] =	ssyncadd.s32 $0xFFFFFCF2  }
0x39: {  	[spmem:s31], [sflag:s26] =	dma.local [hbm:s30], $0x30E  }
0x3a: {  	_ =	swait.ge [sflag:s8], $0x30E  }
0x3b: {  	s2 =	rddreg [dreg:$0xe]  }
0x3c: {  	[sflag:s8] =	ssyncset.done $0x0;
	s1 =	sshrl.u32 s2, $0x3;
	s2 =	rddreg [dreg:$0x19]  }
0x3d: {  	[sflag:s8] =	ssyncadd.s32 $0xFFFFFCF2;
	[dreg:$0x1c] =	wrdreg s1  }
0x3e: {  	[spmem:s1], [sflag:s26] =	dma.local [hbm:s2], $0x30E  }
0x3f: {  	_ =	swait.ge [sflag:s8], $0x30E  }
0x40: {  	s30 =	rddreg [dreg:$0xf]  }
0x41: {  	[sflag:s8] =	ssyncset.done $0x0;
	s1 =	sshrl.u32 s30, $0x3  }
0x42: {  	[sflag:s8] =	ssyncadd.s32 $0xFFFFFCF2;
	[dreg:$0x1d] =	wrdreg s1  }
0x43: {  	[spmem:s1], [sflag:s26] =	dma.local [hbm:s2], $0x30E  }
0x44: {  	_ =	swait.ge [sflag:s8], $0x30E  }
0x45: {  	s31 =	rddreg [dreg:$0x11]  }
0x46: {  	[dreg:$0x1b] =	wrdreg s26;
	[sflag:s8] =	ssyncset.done $0x0;
	s1 =	sshrl.u32 s31, $0x3  }
0x47: {  	[sflag:s8] =	ssyncadd.s32 $0xFFFFFCF2;
	[dreg:$0x1e] =	wrdreg s1  }
0x48: {  	[spmem:s1], [sflag:s26] =	dma.local [hbm:s2], $0x30E  }
0x49: {  	_ =	swait.ge [sflag:s8], $0x30E  }
0x4a: {  	[sflag:s8] =	ssyncset.done $0x0  }
0x4b: {  	[sflag:s8] =	ssyncadd.s32 $0xFFFFFCF2  }
0x4c: {  	v0 =	vimm.f32 $0.0e+00;
	s26 =	simm.s32 $0x0;
	[bflag:$0x0] =	sbarrier.arrive $0xFFFF  }
.LBB2_2:
0x4d: {  	s1 =	smul.u32 $0x640, s26;
	_ =	sdelay $0x1  }
0x4e: {  	s1 =	sadd.s32 s17, s1  }
0x4f: {  	s1 =	sshrl.u32 s1, $0x3  }
0x50: {  	s30 =	simm.s32 $0x0;
	s2 =	sadd.s32 s28, s1  }
0x51: {  	[tilespmem:s30], [sflag:$0x3] =	stream.linear.gather [hbm4b:s2+s30], $0x640, $0x38;
	[tilespmem:$0xF0A0] =	vst v63  }
0x52: {  	_ =	swait.ge [sflag:s8], $0x640  }
0x53: {  	[sflag:s8] =	ssyncset.done $0x0  }
0x54: {  	s2 =	sadd.s32 s29, s1;
	[sflag:s8] =	ssyncadd.s32 $0xFFFFF9C0  }
0x55: {  	[tilespmem:s4], [sflag:$0x3] =	stream.linear.gather [hbm4b:s2+s30], $0x640, $0x38;
	[tilespmem:$0xF0A0] =	vst v63  }
0x56: {  	_ =	swait.ge [sflag:s8], $0x640  }
0x57: {  	[sflag:s8] =	ssyncset.done $0x0  }
0x58: {  	[sflag:s8] =	ssyncadd.s32 $0xFFFFF9C0  }
0x59: {  	s2 =	rddreg [dreg:$0x2]  }
0x5a: {  	s1 =	sadd.s32 s2, s1;
	s2 =	simm.s32 $0xC80  }
0x5b: {  	[tilespmem:s2], [sflag:$0x3] =	stream.linear.gather [hbm4b:s1+s30], $0x640, $0x38;
	[tilespmem:$0xF0A0] =	vst v63  }
0x5c: {  	_ =	swait.ge [sflag:s8], $0x640  }
0x5d: {  	[sflag:s8] =	ssyncset.done $0x0  }
0x5e: {  	s2 =	simm.s32 $0x12C0;
	[sflag:s8] =	ssyncadd.s32 $0xFFFFF9C0  }
0x5f: {  	[tilespmem:s2], [sflag:$0x1] =	stream.indirect.gather [spmem:s3], $0x1, s30, s4, $0xb8;
	[tilespmem:$0xF0A0] =	vst v63  }
0x60: {  	_ = 	snop  }
0x61: {  	[tilespmem:s0], [sflag:$0x1] =	stream.indirect.gather [spmem:s5], $0x1, s30, s4, $0xb8;
	[tilespmem:$0xF0A0] =	vst v63  }
0x62: {  	_ = 	snop  }
0x63: {  	[tilespmem:s12], [sflag:$0x1] =	stream.indirect.gather [spmem:s6], $0x1, s30, s4, $0xb8;
	[tilespmem:$0xF0A0] =	vst v63  }
0x64: {  	_ = 	snop  }
0x65: {  	[tilespmem:s13], [sflag:$0x1] =	stream.indirect.gather [spmem:s3], $0x1, s4, s4, $0xb8;
	[tilespmem:$0xF0A0] =	vst v63  }
0x66: {  	_ = 	snop  }
0x67: {  	[tilespmem:s14], [sflag:$0x1] =	stream.indirect.gather [spmem:s5], $0x1, s4, s4, $0xb8;
	[tilespmem:$0xF0A0] =	vst v63  }
0x68: {  	_ = 	snop  }
0x69: {  	[tilespmem:s15], [sflag:$0x1] =	stream.indirect.gather [spmem:s6], $0x1, s4, s4, $0xb8;
	[tilespmem:$0xF0A0] =	vst v63  }
0x6a: {  	_ =	swait.ge [sflag:s16], $0x640  }
0x6b: {  	[sflag:s16] =	ssyncset.done $0x0  }
0x6c: {  	[sflag:s16] =	ssyncadd.s32 $0xFFFFF9C0  }
0x6d: {  	_ =	swait.ge [sflag:s16], $0x640  }
0x6e: {  	[sflag:s16] =	ssyncset.done $0x0  }
0x6f: {  	[sflag:s16] =	ssyncadd.s32 $0xFFFFF9C0  }
0x70: {  	_ =	swait.ge [sflag:s16], $0x640  }
0x71: {  	[sflag:s16] =	ssyncset.done $0x0  }
0x72: {  	[sflag:s16] =	ssyncadd.s32 $0xFFFFF9C0  }
0x73: {  	_ =	swait.ge [sflag:s16], $0x640  }
0x74: {  	[sflag:s16] =	ssyncset.done $0x0  }
0x75: {  	[sflag:s16] =	ssyncadd.s32 $0xFFFFF9C0  }
0x76: {  	_ =	swait.ge [sflag:s16], $0x640  }
0x77: {  	[sflag:s16] =	ssyncset.done $0x0  }
0x78: {  	[sflag:s16] =	ssyncadd.s32 $0xFFFFF9C0  }
0x79: {  	_ =	swait.ge [sflag:s16], $0x640  }
0x7a: {  	[sflag:s16] =	ssyncset.done $0x0  }
0x7b: {  	s1 =	simm.s32 $0x0;
	[sflag:s16] =	ssyncadd.s32 $0xFFFFF9C0  }
0x7c: {  	v1 =	vld [tilespmem:s1+$0x12C0]  }
0x7d: {  	v2 =	vld [tilespmem:s1+$0x2580]  }
0x7e: {  	v3 =	vld [tilespmem:s1+$0x1900]  }
0x7f: {  	v4 =	vld [tilespmem:s1+$0x2BC0]  }
0x80: {  	v5 =	vld [tilespmem:s1+$0x1F40]  }
0x81: {  	v8 =	vld [tilespmem:s1+$0x3200];
	_ =	sdelay $0x2  }
0x82: {  	v6 =	vsub.f32 v1, v2;
	v7 =	vsub.f32 v3, v4;
	_ =	sdelay $0x1  }
0x83: {  	v5 =	vsub.f32 v5, v8;
	v1 =	vmul.f32 v6, v6;
	v2 =	vmul.f32 v7, v7;
	_ =	sdelay $0x1  }
0x84: {  	v1 =	vadd.f32 v2, v1;
	v2 =	vmul.f32 v5, v5;
	_ =	sdelay $0x1  }
0x85: {  	v1 =	vadd.f32 v2, v1;
	_ =	sdelay $0x1  }
0x86: {  	v9 =	vmax.f32 v1, $9.999999960e-13  }
0x87: {  	v1 =	vshrl.u32 v9, $0x1;
	v8 =	vmul.f32 $5.000000000e-01, v9  }
0x88: {  	v1 =	vsub.s32 $0x5F3759DF, v1  }
0x89: {  	s30 =	simm.s32 $0x10;
	v2 =	vmul.f32 v1, v8  }
0x8a: {  	v10 =	vld [tilespmem:s30+$0x2580]  }
0x8b: {  	v11 =	vld [tilespmem:s30+$0x1900];
	v2 =	vmul.f32 v1, v2  }
0x8c: {  	v12 =	vld [tilespmem:s30+$0x2BC0]  }
0x8d: {  	v13 =	vld [tilespmem:s30+$0x3200];
	v2 =	vsub.f32 $1.500000000e+00, v2  }
0x8e: {  	v3 =	vld [tilespmem:s30+$0x12C0]  }
0x8f: {  	v4 =	vld [tilespmem:s30+$0x1F40];
	v1 =	vmul.f32 v1, v2;
	_ =	sdelay $0x1  }
0x90: {  	v14 =	vmul.f32 v1, v8;
	_ =	sdelay $0x1  }
0x91: {  	v2 =	vsub.f32 v3, v10;
	v3 =	vsub.f32 v11, v12;
	v10 =	vmul.f32 v14, v1  }
0x92: {  	v4 =	vsub.f32 v4, v13;
	v11 =	vld [tilespmem:s1+$0xC80]  }
0x93: {  	v12 =	vmul.f32 v2, v2;
	v13 =	vmul.f32 v3, v3;
	v10 =	vsub.f32 $1.500000000e+00, v10;
	_ =	sdelay $0x1  }
0x94: {  	v12 =	vadd.f32 v13, v12;
	v13 =	vmul.f32 v4, v4;
	v10 =	vmul.f32 v10, v1;
	_ =	sdelay $0x1  }
0x95: {  	v1 =	vadd.f32 v13, v12;
	v8 =	vmul.f32 v10, v8;
	_ =	sdelay $0x1  }
0x96: {  	v1 =	vmax.f32 v1, $9.999999960e-13;
	v12 =	vmul.f32 v8, v10  }
0x97: {  	v16 =	vld.idx.msk [tilespmem:v11+s18+$0x0], $0xffff;
	v11 =	vshrl.u32 v1, $0x1;
	v8 =	vmul.f32 $5.000000000e-01, v1  }
0x98: {  	v17 =	vsub.s32 $0x5F3759DF, v11;
	v12 =	vsub.f32 $1.500000000e+00, v12  }
0x99: {  	s31 =	simm.s32 $0x20;
	v13 =	vmul.f32 v17, v8  }
0x9a: {  	v15 =	vld [tilespmem:s31+$0x2580];
	v10 =	vmul.f32 v12, v10  }
0x9b: {  	v11 =	vld [tilespmem:s31+$0x1F40];
	v14 =	vmul.f32 v17, v13  }
0x9c: {  	v12 =	vld [tilespmem:s31+$0x3200];
	v18 =	vmul.f32 v10, v16;
	v9 =	vmul.f32 v10, v9  }
0x9d: {  	v13 =	vld [tilespmem:s31+$0x12C0];
	v10 =	vsub.f32 $1.500000000e+00, v14  }
0x9e: {  	v14 =	vld [tilespmem:s31+$0x1900];
	v18 =	vmax.f32 v18, $8.000000110e-01;
	v9 =	vsub.f32 v9, v16  }
0x9f: {  	s2 =	simm.s32 $0xC0;
	v16 =	vld [tilespmem:s31+$0x2BC0];
	v10 =	vmul.f32 v17, v10;
	v17 =	vmin.f32 v18, $1.200000050e+00  }
.LBB2_3:
0xa0: {  	p0 =	sne.s32 s2, $0x18C0;
	v9 =	vand.u32 $0x7FFFFFFF, v9;
	v17 =	vadd.f32 $-1.000000000e+00, v17  }
0xa1: {  	v18 =	vmul.f32 v10, v8;
	v0 =	vadd.f32 v9, v0  }
0xa2: {  	v9 =	vmul.f32 $5.000000070e-02, v17  }
0xa3: {  	v11 =	vsub.f32 v11, v12;
	v13 =	vsub.f32 v13, v15;
	v12 =	vmul.f32 v18, v10  }
0xa4: {  	v14 =	vsub.f32 v14, v16;
	v15 =	vld [tilespmem:s30+$0xC80];
	v16 =	vmul.f32 v9, v6;
	v17 =	vmul.f32 v9, v7;
	v6 =	vmovc v2  }
0xa5: {  	v18 =	vmul.f32 v13, v13;
	v9 =	vmul.f32 v9, v5;
	v2 =	vmovc v13;
	v5 =	vmovc v4;
	v12 =	vsub.f32 $1.500000000e+00, v12  }
0xa6: {  	v4 =	vmovc v11;
	v7 =	vmovc v3;
	v13 =	vmul.f32 v14, v14;
	[tilespmem:s1+$0x3840] =	vst v16;
	v16 =	vsub.f32 $0.0e+00, v16;
	v19 =	vsub.f32 $0.0e+00, v17  }
0xa7: {  	v3 =	vmov v14;
	[tilespmem:s1+$0x3E80] =	vst v17;
	v17 =	vsub.f32 $0.0e+00, v9  }
0xa8: {  	v11 =	vmul.f32 v11, v4;
	v10 =	vmul.f32 v12, v10;
	v13 =	vadd.f32 v13, v18;
	[tilespmem:s1+$0x4B00] =	vst v16  }
0xa9: {  	[tilespmem:s1+$0x5140] =	vst v19  }
0xaa: {  	v8 =	vmul.f32 v10, v8;
	v11 =	vadd.f32 v11, v13;
	[tilespmem:s1+$0x5780] =	vst v17  }
0xab: {  	[tilespmem:s1+$0x44C0] =	vst v9;
	s1 =	smov.u32 s30;
	s30 =	smov.u32 s31  }
0xac: {  	v9 =	vmax.f32 v11, $9.999999960e-13;
	v11 =	vmul.f32 v8, v10;
	v16 =	vld.idx.msk [tilespmem:v15+s18+$0x0], $0xffff  }
0xad: {  	v12 =	vshrl.u32 v9, $0x1;
	v8 =	vmul.f32 $5.000000000e-01, v9  }
0xae: {  	v17 =	vsub.s32 $0x5F3759DF, v12;
	v12 =	vsub.f32 $1.500000000e+00, v11  }
0xaf: {  	s31 =	sshra.s32 s2, $0x2;
	v13 =	vmul.f32 v17, v8  }
0xb0: {  	v11 =	vld [tilespmem:s31+$0x1F40];
	v10 =	vmul.f32 v12, v10  }
.Ltmp0:
0xb1: {  	v12 =	vld [tilespmem:s31+$0x3200];
	v14 =	vmul.f32 v17, v13;
	(pc) =	sbr.rel @p0 .LBB2_3-.Ltmp0, $4  }
0xb2: {  	v13 =	vld [tilespmem:s31+$0x12C0];
	v18 =	vmul.f32 v10, v1;
	v10 =	vmul.f32 v10, v16;
	v1 =	vmov v9  }
0xb3: {  	v15 =	vld [tilespmem:s31+$0x2580];
	v19 =	vsub.f32 $1.500000000e+00, v14  }
0xb4: {  	v14 =	vld [tilespmem:s31+$0x1900];
	v9 =	vsub.f32 v18, v16;
	v18 =	vmax.f32 v10, $8.000000110e-01  }
0xb5: {  	s2 =	sadd.s32 $0x40, s2;
	v16 =	vld [tilespmem:s31+$0x2BC0];
	v10 =	vmul.f32 v17, v19;
	v17 =	vmin.f32 v18, $1.200000050e+00  }
0xb6: {  	_ = 	snop  }
0xb7: {  	v17 =	vadd.f32 $-1.000000000e+00, v17  }
0xb8: {  	v18 =	vmul.f32 v10, v8  }
0xb9: {  	v17 =	vmul.f32 $5.000000070e-02, v17  }
0xba: {  	v13 =	vsub.f32 v13, v15;
	v36 =	vmul.f32 v18, v10;
	v14 =	vsub.f32 v14, v16  }
0xbb: {  	v11 =	vsub.f32 v11, v12;
	v37 =	vld [tilespmem:s30+$0xC80];
	v6 =	vmul.f32 v17, v6;
	v7 =	vmul.f32 v17, v7  }
0xbc: {  	v38 =	vmul.f32 v13, v13;
	v15 =	vsub.f32 $1.500000000e+00, v36;
	v39 =	vmul.f32 v14, v14  }
0xbd: {  	v42 =	vmul.f32 v11, v11;
	v5 =	vmul.f32 v17, v5;
	[tilespmem:s1+$0x3840] =	vst v6  }
0xbe: {  	v6 =	vsub.f32 $0.0e+00, v6;
	[tilespmem:s1+$0x3E80] =	vst v7;
	v43 =	vmul.f32 v15, v10;
	v41 =	vadd.f32 v39, v38  }
0xbf: {  	v40 =	vsub.f32 $0.0e+00, v7;
	[tilespmem:s1+$0x44C0] =	vst v5  }
0xc0: {  	v44 =	vsub.f32 $0.0e+00, v5;
	[tilespmem:s1+$0x4B00] =	vst v6;
	v46 =	vmul.f32 v43, v8;
	v45 =	vadd.f32 v42, v41  }
0xc1: {  	[tilespmem:s1+$0x5140] =	vst v40  }
0xc2: {  	[tilespmem:s1+$0x5780] =	vst v44;
	v48 =	vmul.f32 v46, v43;
	v47 =	vmax.f32 v45, $9.999999960e-13  }
0xc3: {  	v49 =	vld.idx.msk [tilespmem:v37+s18+$0x0], $0xffff;
	v50 =	vshrl.u32 v47, $0x1;
	v51 =	vmul.f32 $5.000000000e-01, v47  }
0xc4: {  	v6 =	vsub.f32 $1.500000000e+00, v48;
	v8 =	vsub.s32 $0x5F3759DF, v50  }
0xc5: {  	v52 =	vmul.f32 v8, v51  }
0xc6: {  	v6 =	vmul.f32 v6, v43  }
0xc7: {  	v53 =	vmul.f32 v8, v52  }
0xc8: {  	v54 =	vmul.f32 v6, v49  }
0xc9: {  	v10 =	vsub.f32 $1.500000000e+00, v53  }
0xca: {  	v15 =	vmax.f32 v54, $8.000000110e-01  }
0xcb: {  	v55 =	vmin.f32 v15, $1.200000050e+00;
	v8 =	vmul.f32 v8, v10  }
0xcc: {  	v10 =	vadd.f32 $-1.000000000e+00, v55  }
0xcd: {  	v56 =	vmul.f32 v8, v51  }
0xce: {  	v10 =	vmul.f32 $5.000000070e-02, v10  }
0xcf: {  	v15 =	vmul.f32 v56, v8  }
0xd0: {  	v57 =	vld [tilespmem:s31+$0xC80];
	v2 =	vmul.f32 v10, v2  }
0xd1: {  	v3 =	vmul.f32 v10, v3;
	v15 =	vsub.f32 $1.500000000e+00, v15  }
0xd2: {  	v4 =	vmul.f32 v10, v4;
	[tilespmem:s30+$0x3840] =	vst v2  }
0xd3: {  	v2 =	vsub.f32 $0.0e+00, v2;
	v58 =	vsub.f32 $0.0e+00, v3;
	[tilespmem:s30+$0x3E80] =	vst v3;
	v3 =	vmul.f32 v15, v8  }
0xd4: {  	[tilespmem:s30+$0x44C0] =	vst v4  }
0xd5: {  	v59 =	vsub.f32 $0.0e+00, v4;
	[tilespmem:s30+$0x4B00] =	vst v2;
	v2 =	vmul.f32 v3, v51  }
0xd6: {  	[tilespmem:s30+$0x5140] =	vst v58  }
0xd7: {  	[tilespmem:s30+$0x5780] =	vst v59;
	v2 =	vmul.f32 v2, v3  }
0xd8: {  	v4 =	vld.idx.msk [tilespmem:v57+s18+$0x0], $0xffff  }
0xd9: {  	v2 =	vsub.f32 $1.500000000e+00, v2;
	_ =	sdelay $0x1  }
0xda: {  	v2 =	vmul.f32 v2, v3;
	_ =	sdelay $0x1  }
0xdb: {  	v3 =	vmul.f32 v2, v4;
	_ =	sdelay $0x1  }
0xdc: {  	v3 =	vmax.f32 v3, $8.000000110e-01  }
0xdd: {  	v3 =	vmin.f32 v3, $1.200000050e+00  }
0xde: {  	v3 =	vadd.f32 $-1.000000000e+00, v3;
	_ =	sdelay $0x1  }
0xdf: {  	v3 =	vmul.f32 $5.000000070e-02, v3;
	_ =	sdelay $0x1  }
0xe0: {  	v60 =	vmul.f32 v3, v13  }
0xe1: {  	v61 =	vmul.f32 v3, v14  }
0xe2: {  	v3 =	vmul.f32 v3, v11;
	[tilespmem:s31+$0x3840] =	vst v60  }
0xe3: {  	v8 =	vsub.f32 $0.0e+00, v60;
	[tilespmem:s31+$0x3E80] =	vst v61  }
0xe4: {  	v62 =	vsub.f32 $0.0e+00, v61;
	[tilespmem:s31+$0x44C0] =	vst v3  }
0xe5: {  	v63 =	vsub.f32 $0.0e+00, v3;
	[tilespmem:s31+$0x4B00] =	vst v8  }
0xe6: {  	[tilespmem:s31+$0x5140] =	vst v62  }
0xe7: {  	[tilespmem:s31+$0x5780] =	vst v63  }
0xe8: {  	[spmem:s7] =	stream.indirect.scatter.add.f32 [tilespmem:s19], [sflag:$0x2], $0x1, s11, s4, $0xb8;
	[tilespmem:$0xF0A0] =	vst v63  }
0xe9: {  	_ = 	snop  }
0xea: {  	[spmem:s9] =	stream.indirect.scatter.add.f32 [tilespmem:s20], [sflag:$0x2], $0x1, s11, s4, $0xb8;
	[tilespmem:$0xF0A0] =	vst v63  }
0xeb: {  	_ = 	snop  }
0xec: {  	[spmem:s10] =	stream.indirect.scatter.add.f32 [tilespmem:s21], [sflag:$0x2], $0x1, s11, s4, $0xb8;
	[tilespmem:$0xF0A0] =	vst v63  }
0xed: {  	_ = 	snop  }
0xee: {  	[spmem:s7] =	stream.indirect.scatter.add.f32 [tilespmem:s22], [sflag:$0x2], $0x1, s4, s4, $0xb8;
	[tilespmem:$0xF0A0] =	vst v63  }
0xef: {  	_ = 	snop  }
0xf0: {  	[spmem:s9] =	stream.indirect.scatter.add.f32 [tilespmem:s23], [sflag:$0x2], $0x1, s4, s4, $0xb8;
	[tilespmem:$0xF0A0] =	vst v63  }
0xf1: {  	_ = 	snop  }
0xf2: {  	[spmem:s10] =	stream.indirect.scatter.add.f32 [tilespmem:s24], [sflag:$0x2], $0x1, s4, s4, $0xb8;
	[tilespmem:$0xF0A0] =	vst v63  }
0xf3: {  	_ =	swait.ge [sflag:s25], $0x640  }
0xf4: {  	[sflag:s25] =	ssyncset.done $0x0  }
0xf5: {  	[sflag:s25] =	ssyncadd.s32 $0xFFFFF9C0  }
0xf6: {  	_ =	swait.ge [sflag:s25], $0x640  }
0xf7: {  	[sflag:s25] =	ssyncset.done $0x0  }
0xf8: {  	[sflag:s25] =	ssyncadd.s32 $0xFFFFF9C0  }
0xf9: {  	_ =	swait.ge [sflag:s25], $0x640  }
0xfa: {  	[sflag:s25] =	ssyncset.done $0x0  }
0xfb: {  	[sflag:s25] =	ssyncadd.s32 $0xFFFFF9C0  }
0xfc: {  	_ =	swait.ge [sflag:s25], $0x640  }
0xfd: {  	v1 =	vmul.f32 v6, v1;
	[sflag:s25] =	ssyncset.done $0x0  }
0xfe: {  	s26 =	sadd.s32 $0x1, s26;
	[sflag:s25] =	ssyncadd.s32 $0xFFFFF9C0  }
0xff: {  	p0 =	sne.s32 s26, $0x7D;
	v1 =	vsub.f32 v1, v49;
	v2 =	vmul.f32 v2, v47;
	v3 =	vand.u32 $0x7FFFFFFF, v9;
	_ =	swait.ge [sflag:s25], $0x640  }
.Ltmp1:
0x100: {  	v0 =	vadd.f32 v3, v0;
	[sflag:s25] =	ssyncset.done $0x0;
	(pc) =	sbr.rel @p0 .LBB2_2-.Ltmp1, $4  }
0x101: {  	v1 =	vand.u32 $0x7FFFFFFF, v1;
	v2 =	vsub.f32 v2, v4;
	[sflag:s25] =	ssyncadd.s32 $0xFFFFF9C0  }
0x102: {  	v0 =	vadd.f32 v1, v0;
	_ =	swait.ge [sflag:s25], $0x640  }
0x103: {  	v1 =	vand.u32 $0x7FFFFFFF, v2;
	[sflag:s25] =	ssyncset.done $0x0  }
0x104: {  	v0 =	vadd.f32 v1, v0;
	[sflag:s25] =	ssyncadd.s32 $0xFFFFF9C0  }
0x105: {  	[bflag:$0x0] =	sbarrier.arrive $0xFFFF  }
0x106: {  	s1 =	rddreg [dreg:$0x10]  }
0x107: {  	s2 =	rddreg [dreg:$0x1b]  }
0x108: {  	s26 =	rddreg [dreg:$0x1c]  }
0x109: {  	[hbm:s1], [sflag:s2] =	dma.local [spmem:s26], $0x30E  }
0x10a: {  	_ =	swait.ge [sflag:s8], $0x30E  }
0x10b: {  	[sflag:s8] =	ssyncset.done $0x0;
	s30 =	rddreg [dreg:$0x12]  }
0x10c: {  	s31 =	rddreg [dreg:$0x1d];
	[sflag:s8] =	ssyncadd.s32 $0xFFFFFCF2  }
0x10d: {  	[hbm:s30], [sflag:s2] =	dma.local [spmem:s31], $0x30E  }
0x10e: {  	_ =	swait.ge [sflag:s8], $0x30E  }
0x10f: {  	[sflag:s8] =	ssyncset.done $0x0;
	s30 =	rddreg [dreg:$0x13]  }
0x110: {  	s31 =	rddreg [dreg:$0x1e];
	[sflag:s8] =	ssyncadd.s32 $0xFFFFFCF2  }
0x111: {  	[hbm:s30], [sflag:s2] =	dma.local [spmem:s31], $0x30E  }
0x112: {  	_ =	swait.ge [sflag:s8], $0x30E  }
0x113: {  	[sflag:s8] =	ssyncset.done $0x0  }
0x114: {  	[sflag:s8] =	ssyncadd.s32 $0xFFFFFCF2  }
0x115: {  	s26 =	simm.s32 $0x5DF0;
	s2 =	rddreg [dreg:$0x14];
	[tilespmem:$0x5DF0] =	vst v0  }
0x116: {  	[hbm4b:s2+s11] =	stream.linear.scatter [tilespmem:s26], [sflag:$0x3], $0x10, $0x38;
	[tilespmem:$0xF0A0] =	vst v63  }
0x117: {  	_ =	swait.ge [sflag:s8], $0x10  }
0x118: {  	s30 =	rddreg [dreg:$0x1a]  }
0x119: {  	s31 =	rddreg [dreg:$0x15];
	s2 =	sadd.s32 $0x1, s30  }
0x11a: {  	p0 =	sne.s32 s2, s31  }
.Ltmp2:
0x11b: {  	_ = 	snop;
	(pc) =	sbr.rel @p0 .LBB2_1-.Ltmp2, $3  }
0x11c: {  	_ =	sdelay $0x1  }
0x11d: {  	[sflag:s8] =	ssyncset.done $0x0  }
0x11e: {  	[sflag:s8] =	ssyncadd.s32 $0xFFFFFFF0  }
0x11f: {  	_ =	sfence.sel $0x180000  }
0x120: {  	[bflag:$0x0] =	sbarrier.arrive $0xFFFF  }
0x121: {  	_ =	strace $0x90000047  }
0x122: {  	s0 =	stileid.u32;
	[bflag:$0x2] =	sbarrier.arrive $0xFFFF  }
0x123: {  	p0 =	sne.s32 s0, $0x0;
	s0 =	rddreg [dreg:$0xa]  }
0x124: {  	s0 =	sadd.s32 @!p0 $0x100000, s0  }
0x125: {  	[sflag:s0] =	ssyncadd.tile.s32 @!p0 $0x1;
	_ =	shalt  }
.Lfunc_end2:
_tile_overlayer_lowered:
.L_overlay_start_2:
0x126: {  	(tag) =	ssettag $0x2  }
0x127: {  	s0 =	rddreg [dreg:$0x0];
	s2 =	stileid.u32  }
0x128: {  	s1 =	rddreg [dreg:$0x1];
	p0 =	sne.s32 s2, $0x0  }
0x129: {  	s3 =	rddreg [dreg:$0x2];
	[bflag:$0x3] =	sbarrier.arrive $0xFFFF;
	s2 =	simm.s32 @!p0 $0x1C03  }
0x12a: {  	[timem:s3], [sflag:s2] =	dma.local @!p0 [hbm:s0], s1  }
0x12b: {  	s0 =	simm.s32 @!p0 $0x3  }
0x12c: {  	_ =	swait.ge @!p0 [sflag:s0], s1  }
0x12d: {  	s1 =	ssub.s32 @!p0 $0x0, s1;
	[sflag:s0] =	ssyncset.done @!p0 $0x0  }
0x12e: {  	[sflag:s0] =	ssyncadd.s32 @!p0 s1  }
0x12f: {  	[bflag:$0x3] =	sbarrier.arrive $0xFFFF  }
0x130: {  	_ =	shalt  }

</sc_bundles>
